<compile_context>
chip_gen: v7x
topology: tpu7x:2x2x1
jax: 0.10.2.dev20260603
libtpu: 0.0.44.dev20260713+nightly
codegen_flags: <defaults>
</compile_context>

<pallas_src>
import functools

import jax
import jax.numpy as jnp
from jax import lax
from jax.experimental import pallas as pl
from jax.experimental.pallas import tpu as pltpu
from jax.experimental.pallas import tpu_sc as plsc

EMBED_DIM = 61
XDIM = 64
H = 128
N_SLOTS = 64
W_MEM = 64
CLIP = 20.0
B = 256
T_STORY = 50
T_OPT = 20

NW = 32
TOT_IDS = B * (T_STORY + 2 * T_OPT)
B_PER_W = TOT_IDS // NW
CHUNK = 120
NCHUNK = B_PER_W // CHUNK
TPAD = 128


def _sc_gather_body(table_hbm, idx_hbm, out_hbm, idx_v, rows_v, sem):
    wid = lax.axis_index("s") * 2 + lax.axis_index("c")
    pltpu.sync_copy(idx_hbm.at[wid], idx_v)
    for j in range(NCHUNK):
        pltpu.async_copy(
            table_hbm.at[idx_v.at[j]],
            rows_v.at[pl.ds(j * CHUNK, CHUNK)],
            sem,
        ).wait()
    pltpu.sync_copy(rows_v, out_hbm.at[pl.ds(wid * B_PER_W, B_PER_W)])


def _sc_gather(table, idx3):
    mesh = plsc.VectorSubcoreMesh(core_axis_name="c", subcore_axis_name="s")
    run = functools.partial(
        pl.kernel,
        _sc_gather_body,
        mesh=mesh,
        out_type=jax.ShapeDtypeStruct((TOT_IDS, TPAD), jnp.float32),
        scratch_types=[
            pltpu.VMEM((NCHUNK, CHUNK), jnp.int32),
            pltpu.VMEM((B_PER_W, TPAD), jnp.float32),
            pltpu.SemaphoreType.DMA,
        ],
    )()
    return run(table, idx3)


def _sum0(x):
    n = x.shape[0]
    while n > 1:
        n //= 2
        x = x[0:n] + x[n:2 * n]
    return x


def _max0(x):
    n = x.shape[0]
    while n > 1:
        n //= 2
        x = jnp.maximum(x[0:n], x[n:2 * n])
    return x


def _sum1(x):
    n = x.shape[1]
    while n > 1:
        n //= 2
        x = x[:, 0:n] + x[:, n:2 * n]
    return x[:, 0]


def _softmax0(x):
    e = jnp.exp(x - jnp.max(x, axis=0, keepdims=True))
    return e / jnp.sum(e, axis=0, keepdims=True)


def _dnc_step(x, h, c, MT, r, Mn, Wx, Wh, b, Wif, bif):
    inp = jnp.concatenate([x, r], axis=-1)
    gates = (jnp.dot(inp, Wx, precision=lax.Precision.HIGHEST, preferred_element_type=jnp.float32)
             + jnp.dot(h, Wh, precision=lax.Precision.HIGHEST, preferred_element_type=jnp.float32)
             + b)
    i_g = gates[:, 0:H]
    f_g = gates[:, H:2 * H]
    g_g = gates[:, 2 * H:3 * H]
    o_g = gates[:, 3 * H:4 * H]
    c_new = jax.nn.sigmoid(f_g) * c + jax.nn.sigmoid(i_g) * jnp.tanh(g_g)
    h_new = jax.nn.sigmoid(o_g) * jnp.tanh(c_new)
    h_new = jnp.clip(h_new, -CLIP, CLIP)

    itf = jnp.dot(h_new, Wif, precision=lax.Precision.HIGHEST, preferred_element_type=jnp.float32) + bif
    kT = jnp.transpose(itf[:, 0:256])
    wkT = kT[0:64]
    erT = jax.nn.sigmoid(kT[64:128])
    wvT = kT[128:192]
    rkT = kT[192:256]
    bT = jnp.transpose(itf[:, 256:258])
    wbT = jnp.logaddexp(bT[0:1], 0.0)
    rbT = jnp.logaddexp(bT[1:2], 0.0)

    eps = jnp.float32(1e-6)
    wknorm = jnp.sqrt(jnp.sum(wkT * wkT, axis=0, keepdims=True)) + eps
    cw = jnp.sum(MT * wkT[None, :, :], axis=1) / ((Mn + eps) * wknorm)
    wwT = _softmax0(cw * wbT)

    MT_new = MT + wwT[:, None, :] * (wvT[None, :, :] - MT * erT[None, :, :])

    Mn2 = jnp.sqrt(jnp.sum(MT_new * MT_new, axis=1))
    rknorm = jnp.sqrt(jnp.sum(rkT * rkT, axis=0, keepdims=True)) + eps
    cr = jnp.sum(MT_new * rkT[None, :, :], axis=1) / ((Mn2 + eps) * rknorm)
    wrT = _softmax0(cr * rbT)
    rT_new = jnp.sum(wrT[:, None, :] * MT_new, axis=0)
    r_new = jnp.transpose(rT_new)
    return h_new, c_new, MT_new, r_new, Mn2, wrT, wwT


GS = 1
BS = B // GS


def _story_body(x_ref, Wx_ref, Wh_ref, b_ref, Wif_ref, bif_ref,
                wr_ref, ww_ref, ho_ref, co_ref, Mo_ref, ro_ref, Mno_ref):
    Wx = Wx_ref[...]
    Wh = Wh_ref[...]
    Wif = Wif_ref[...]
    bias = b_ref[...]
    bif = bif_ref[...]

    def step(t, carry):
        h, c, MT, r, Mn = carry
        h, c, MT, r, Mn, wrT, wwT = _dnc_step(x_ref[t], h, c, MT, r, Mn, Wx, Wh, bias, Wif, bif)
        wr_ref[t] = wrT
        ww_ref[t] = wwT
        return (h, c, MT, r, Mn)

    init = (jnp.zeros((BS, H), jnp.float32), jnp.zeros((BS, H), jnp.float32),
            jnp.zeros((N_SLOTS, W_MEM, BS), jnp.float32), jnp.zeros((BS, W_MEM), jnp.float32),
            jnp.zeros((N_SLOTS, BS), jnp.float32))
    h, c, MT, r, Mn = lax.fori_loop(0, T_STORY, step, init)
    ho_ref[...] = h
    co_ref[...] = c
    Mo_ref[...] = MT
    ro_ref[...] = r
    Mno_ref[...] = Mn


def _run_story(sx, Wx, Wh, b, Wif, bif):
    out_shape = [
        jax.ShapeDtypeStruct((T_STORY, N_SLOTS, B), jnp.float32),
        jax.ShapeDtypeStruct((T_STORY, N_SLOTS, B), jnp.float32),
        jax.ShapeDtypeStruct((B, H), jnp.float32),
        jax.ShapeDtypeStruct((B, H), jnp.float32),
        jax.ShapeDtypeStruct((N_SLOTS, W_MEM, B), jnp.float32),
        jax.ShapeDtypeStruct((B, W_MEM), jnp.float32),
        jax.ShapeDtypeStruct((N_SLOTS, B), jnp.float32),
    ]
    in_specs = [
        pl.BlockSpec((T_STORY, BS, XDIM), lambda i: (0, i, 0)),
        pl.BlockSpec((H, 4 * H), lambda i: (0, 0)),
        pl.BlockSpec((H, 4 * H), lambda i: (0, 0)),
        pl.BlockSpec((1, 4 * H), lambda i: (0, 0)),
        pl.BlockSpec((H, 320), lambda i: (0, 0)),
        pl.BlockSpec((1, 320), lambda i: (0, 0)),
    ]
    out_specs = [
        pl.BlockSpec((T_STORY, N_SLOTS, BS), lambda i: (0, 0, i)),
        pl.BlockSpec((T_STORY, N_SLOTS, BS), lambda i: (0, 0, i)),
        pl.BlockSpec((BS, H), lambda i: (i, 0)),
        pl.BlockSpec((BS, H), lambda i: (i, 0)),
        pl.BlockSpec((N_SLOTS, W_MEM, BS), lambda i: (0, 0, i)),
        pl.BlockSpec((BS, W_MEM), lambda i: (i, 0)),
        pl.BlockSpec((N_SLOTS, BS), lambda i: (0, i)),
    ]
    return pl.pallas_call(
        _story_body, out_shape=out_shape, grid=(GS,),
        in_specs=in_specs, out_specs=out_specs,
        compiler_params=pltpu.CompilerParams(vmem_limit_bytes=100 * 1024 * 1024),
    )(sx, Wx, Wh, b, Wif, bif)


GO = 2
BO = 2 * B // GO


def _opt_body(x_ref, Wx_ref, Wh_ref, b_ref, Wif_ref, bif_ref,
              Wout_ref, bout_ref, Wfc_ref, bfc_ref,
              h_ref, c_ref, M_ref, r_ref, Mn_ref,
              out_ref, wr_ref, ww_ref, a_scr):
    Wx = Wx_ref[...]
    Wh = Wh_ref[...]
    Wif = Wif_ref[...]
    bif = bif_ref[...]
    bias = b_ref[...]

    def step(t, carry):
        h, c, MT, r, Mn = carry
        h, c, MT, r, Mn, wrT, wwT = _dnc_step(x_ref[t], h, c, MT, r, Mn, Wx, Wh, bias, Wif, bif)
        wr_ref[t] = wrT
        ww_ref[t] = wwT
        return (h, c, MT, r, Mn)

    state0 = (h_ref[...], c_ref[...], M_ref[...], r_ref[...], Mn_ref[...])
    h, c, MT, r, Mn = lax.fori_loop(0, T_OPT, step, state0)

    h, c, MT, r, Mn, wrT, wwT = _dnc_step(jnp.zeros((BO, XDIM), jnp.float32),
                                          h, c, MT, r, Mn, Wx, Wh, bias, Wif, bif)
    wr_ref[T_OPT] = wrT
    ww_ref[T_OPT] = wwT

    Wout = Wout_ref[...]
    hr = jnp.concatenate([h, r], axis=-1)
    a = jnp.sum(hr[:, :, None] * Wout[None, :, :], axis=1) + bout_ref[...]
    i = pl.program_id(0)

    @pl.when(i % 2 == 0)
    def _():
        a_scr[...] = a

    @pl.when(i % 2 == 1)
    def _():
        combined = jnp.concatenate([a_scr[...], a], axis=-1)
        wfcT = Wfc_ref[...]
        l0 = jnp.sum(combined * wfcT[0:1, :], axis=1, keepdims=True)
        l1 = jnp.sum(combined * wfcT[1:2, :], axis=1, keepdims=True)
        out_ref[...] = jnp.concatenate([l0, l1], axis=1) + bfc_ref[...]


def _run_options(ox, Wx, Wh, b, Wif, bif, Wout, bout, Wfc, bfc,
                 h, c, M, r, Mn):
    out_shape = [
        jax.ShapeDtypeStruct((B, 2), jnp.float32),
        jax.ShapeDtypeStruct((T_OPT + 1, N_SLOTS, 2 * B), jnp.float32),
        jax.ShapeDtypeStruct((T_OPT + 1, N_SLOTS, 2 * B), jnp.float32),
    ]
    in_specs = [
        pl.BlockSpec((T_OPT, BO, XDIM), lambda i: (0, i, 0)),
        pl.BlockSpec((H, 4 * H), lambda i: (0, 0)),
        pl.BlockSpec((H, 4 * H), lambda i: (0, 0)),
        pl.BlockSpec((1, 4 * H), lambda i: (0, 0)),
        pl.BlockSpec((H, 320), lambda i: (0, 0)),
        pl.BlockSpec((1, 320), lambda i: (0, 0)),
        pl.BlockSpec((H + W_MEM, W_MEM), lambda i: (0, 0)),
        pl.BlockSpec((1, W_MEM), lambda i: (0, 0)),
        pl.BlockSpec((2, H), lambda i: (0, 0)),
        pl.BlockSpec((1, 2), lambda i: (0, 0)),
        pl.BlockSpec((B, H), lambda i: (0, 0)),
        pl.BlockSpec((B, H), lambda i: (0, 0)),
        pl.BlockSpec((N_SLOTS, W_MEM, B), lambda i: (0, 0, 0)),
        pl.BlockSpec((B, W_MEM), lambda i: (0, 0)),
        pl.BlockSpec((N_SLOTS, B), lambda i: (0, 0)),
    ]
    out_specs = [
        pl.BlockSpec((B, 2), lambda i: (0, 0)),
        pl.BlockSpec((T_OPT + 1, N_SLOTS, BO), lambda i: (0, 0, i)),
        pl.BlockSpec((T_OPT + 1, N_SLOTS, BO), lambda i: (0, 0, i)),
    ]
    return pl.pallas_call(
        _opt_body, out_shape=out_shape, grid=(GO,),
        in_specs=in_specs, out_specs=out_specs,
        scratch_shapes=[pltpu.VMEM((BO, W_MEM), jnp.float32)],
        compiler_params=pltpu.CompilerParams(vmem_limit_bytes=100 * 1024 * 1024),
    )(ox, Wx, Wh, b, Wif, bif, Wout, bout, Wfc, bfc,
      h, c, M, r, Mn)


def kernel(emb, Wx, Wh, b_lstm, W_if, b_if, W_out, b_out, W_fc, b_fc,
           story_batch, option1_batch, option2_batch):
    f32 = jnp.float32
    table = jnp.pad(emb, ((0, 0), (0, TPAD - EMBED_DIM)))
    opt_ids = jnp.concatenate([option1_batch, option2_batch], axis=0)
    ids = jnp.concatenate([
        story_batch.T.reshape(-1), opt_ids.T.reshape(-1)
    ]).astype(jnp.int32).reshape(NW, NCHUNK, CHUNK)

    g = _sc_gather(table, ids)

    n_s = B * T_STORY
    fs = jnp.zeros((XDIM,), f32).at[EMBED_DIM].set(1.0)
    f1 = jnp.zeros((XDIM,), f32).at[EMBED_DIM + 1].set(1.0)
    f2 = jnp.zeros((XDIM,), f32).at[EMBED_DIM + 2].set(1.0)
    sx = g[0:n_s, 0:XDIM].reshape(T_STORY, B, XDIM) + fs
    fo = jnp.concatenate([jnp.broadcast_to(f1, (B, XDIM)),
                          jnp.broadcast_to(f2, (B, XDIM))], axis=0)
    ox = g[n_s:, 0:XDIM].reshape(T_OPT, 2 * B, XDIM) + fo
    b = b_lstm[None].astype(f32)
    Wif = jnp.concatenate([
        W_if[:, 0:64], W_if[:, 65:129], W_if[:, 129:193], W_if[:, 193:257],
        W_if[:, 64:65], W_if[:, 257:258], jnp.zeros((H, 62), f32)
    ], axis=1)
    bif = jnp.concatenate([
        b_if[0:64], b_if[65:129], b_if[129:193], b_if[193:257],
        b_if[64:65], b_if[257:258], jnp.zeros((62,), f32)
    ])[None]

    wr_s, ww_s, h, c, M, r, Mn = _run_story(sx, Wx, Wh, b, Wif, bif)
    logits, wr_o, ww_o = _run_options(
        ox, Wx, Wh, b, Wif, bif,
        W_out, b_out[None], W_fc.T, b_fc[None], h, c, M, r, Mn)

    hr_s = wr_s.transpose(2, 0, 1)
    hw_s = ww_s.transpose(2, 0, 1)
    wr_o = wr_o.transpose(2, 0, 1)
    ww_o = ww_o.transpose(2, 0, 1)
    hr1, hr2 = wr_o[0:B], wr_o[B:2 * B]
    hw1, hw2 = ww_o[0:B], ww_o[B:2 * B]
    return (logits, (hr_s, hr1, hr2), (hw_s, hw1, hw2))

# --- scband reference (transcript-rebuilt; emitter-appended) ---
"""Pipeline reference for scband-cloze-model-68994354643535 (READ-ONLY COPY).

The authoritative reference and input builder live on the scoring server;
editing this copy changes nothing except your own understanding.
"""

import jax, jax.numpy as jnp
import numpy as np

EMBED_LEN = 100000
EMBED_DIM = 61
NUM_FLAGS = 3
WORD_SIZE = EMBED_DIM + NUM_FLAGS
H = 128
N_SLOTS = 64
W_MEM = 64
CLIP = 20.0
B = 256
T_STORY = 50
T_OPT = 20
IN_DIM = WORD_SIZE + W_MEM


def setup_inputs(seed: int = 0):
    key = jax.random.key(seed)
    ks = jax.random.split(key, 16)
    emb = jax.random.normal(ks[0], (EMBED_LEN, EMBED_DIM), jnp.float32) * 0.02
    emb = emb.at[0].set(0.0)  # padding_idx=0
    Wx = jax.random.normal(ks[1], (IN_DIM, 4 * H), jnp.float32) / np.sqrt(IN_DIM)
    Wh = jax.random.normal(ks[2], (H, 4 * H), jnp.float32) / np.sqrt(H)
    b_lstm = jnp.zeros((4 * H,), jnp.float32)
    W_if = jax.random.normal(ks[3], (H, 4 * W_MEM + 2), jnp.float32) / np.sqrt(H)
    b_if = jnp.zeros((4 * W_MEM + 2,), jnp.float32)
    W_out = jax.random.normal(ks[4], (H + W_MEM, W_MEM), jnp.float32) / np.sqrt(H + W_MEM)
    b_out = jnp.zeros((W_MEM,), jnp.float32)
    W_fc = jax.random.normal(ks[5], (2 * W_MEM, 2), jnp.float32) / np.sqrt(2 * W_MEM)
    b_fc = jnp.zeros((2,), jnp.float32)
    story_batch = jax.random.randint(ks[6], (B, T_STORY), 0, EMBED_LEN, dtype=jnp.int32)
    option1_batch = jax.random.randint(ks[7], (B, T_OPT), 0, EMBED_LEN, dtype=jnp.int32)
    option2_batch = jax.random.randint(ks[8], (B, T_OPT), 0, EMBED_LEN, dtype=jnp.int32)
    return {"emb": emb, "Wx": Wx, "Wh": Wh, "b_lstm": b_lstm, "W_if": W_if, "b_if": b_if,
            "W_out": W_out, "b_out": b_out, "W_fc": W_fc, "b_fc": b_fc,
            "story_batch": story_batch, "option1_batch": option1_batch, "option2_batch": option2_batch}


def _cosine(M, k):
    Mn = M / (jnp.linalg.norm(M, axis=-1, keepdims=True) + jnp.asarray(1e-6, M.dtype))
    kn = k / (jnp.linalg.norm(k, axis=-1, keepdims=True) + jnp.asarray(1e-6, k.dtype))
    return jnp.einsum('bnw,bw->bn', Mn, kn)


def _dnc_run(xs, state, Wx, Wh, b_lstm, W_if, b_if, W_out, b_out):
    def step(carry, x_t):
        h, c, M, r = carry
        inp = jnp.concatenate([x_t, r], axis=-1)
        gates = inp @ Wx + h @ Wh + b_lstm
        i_g, f_g, g_g, o_g = jnp.split(gates, 4, axis=-1)
        c_new = (jax.nn.sigmoid(f_g) * c + jax.nn.sigmoid(i_g) * jnp.tanh(g_g)).astype(c.dtype)
        h_new = jax.nn.sigmoid(o_g) * jnp.tanh(c_new)
        h_new = jnp.clip(h_new, jnp.asarray(-CLIP, h.dtype), jnp.asarray(CLIP, h.dtype)).astype(h.dtype)
        itf = h_new @ W_if + b_if
        wk = itf[:, :W_MEM]
        wb = jax.nn.softplus(itf[:, W_MEM:W_MEM + 1])
        er = jax.nn.sigmoid(itf[:, W_MEM + 1:2 * W_MEM + 1])
        wv = itf[:, 2 * W_MEM + 1:3 * W_MEM + 1]
        rk = itf[:, 3 * W_MEM + 1:4 * W_MEM + 1]
        rb = jax.nn.softplus(itf[:, 4 * W_MEM + 1:4 * W_MEM + 2])
        ww = jax.nn.softmax(_cosine(M, wk) * wb, axis=-1)
        M_new = (M * (jnp.asarray(1.0, M.dtype) - ww[:, :, None] * er[:, None, :]) + ww[:, :, None] * wv[:, None, :]).astype(M.dtype)
        wr = jax.nn.softmax(_cosine(M_new, rk) * rb, axis=-1)
        r_new = jnp.einsum('bn,bnw->bw', wr, M_new).astype(r.dtype)
        out = jnp.concatenate([h_new, r_new], axis=-1) @ W_out + b_out
        return (h_new, c_new, M_new, r_new), (out, wr, ww)

    carry, (outs, wrs, wws) = jax.lax.scan(step, state, jnp.swapaxes(xs, 0, 1))
    return outs[-1], carry, jnp.swapaxes(wrs, 0, 1), jnp.swapaxes(wws, 0, 1)


def reference(emb, Wx, Wh, b_lstm, W_if, b_if, W_out, b_out, W_fc, b_fc,
              story_batch, option1_batch, option2_batch):
    flag_story = jnp.array([1.0, 0.0, 0.0], jnp.float32)
    flag_o1 = jnp.array([0.0, 1.0, 0.0], jnp.float32)
    flag_o2 = jnp.array([0.0, 0.0, 1.0], jnp.float32)
    bsz = story_batch.shape[0]
    story_e = jnp.take(emb, story_batch, axis=0)
    o1_e = jnp.take(emb, option1_batch, axis=0)
    o2_e = jnp.take(emb, option2_batch, axis=0)
    sv = jnp.concatenate([story_e, jnp.broadcast_to(flag_story, story_e.shape[:2] + (NUM_FLAGS,))], axis=-1)
    o1v = jnp.concatenate([o1_e, jnp.broadcast_to(flag_o1, o1_e.shape[:2] + (NUM_FLAGS,))], axis=-1)
    o2v = jnp.concatenate([o2_e, jnp.broadcast_to(flag_o2, o2_e.shape[:2] + (NUM_FLAGS,))], axis=-1)
    query = jnp.zeros((bsz, 1, WORD_SIZE), jnp.float32)
    o1v = jnp.concatenate([o1v, query], axis=1)
    o2v = jnp.concatenate([o2v, query], axis=1)
    state0 = (jnp.zeros((bsz, H), jnp.float32), jnp.zeros((bsz, H), jnp.float32),
              jnp.zeros((bsz, N_SLOTS, W_MEM), jnp.float32), jnp.zeros((bsz, W_MEM), jnp.float32))
    _, story_state, hr_s, hw_s = _dnc_run(sv, state0, Wx, Wh, b_lstm, W_if, b_if, W_out, b_out)
    a1, _, hr1, hw1 = _dnc_run(o1v, story_state, Wx, Wh, b_lstm, W_if, b_if, W_out, b_out)
    a2, _, hr2, hw2 = _dnc_run(o2v, story_state, Wx, Wh, b_lstm, W_if, b_if, W_out, b_out)
    combined = jnp.concatenate([a1, a2], axis=1)
    out = combined @ W_fc + b_fc
    return (out, (hr_s, hr1, hr2), (hw_s, hw1, hw2))

if __name__ == "__main__":
    import jax
    _d = setup_inputs()
    print(jax.jit(kernel)(*tuple(_d.values())))

</pallas_src>

<mosaic_0001>
#map = affine_map<(d0, d1) -> (0, 0)>
#map1 = affine_map<(d0, d1) -> (0, 0, 0)>
module attributes {stable_mosaic.version = 14 : i64} {
  func.func @_sc_gather_body(%arg0: i32, %arg1: i32, %arg2: memref<100000x128xf32, #tpu.memory_space<hbm>>, %arg3: memref<32x6x120xi32, #tpu.memory_space<hbm>>, %arg4: memref<23040x128xf32, #tpu.memory_space<hbm>>, %arg5: memref<6x120xi32, #tpu.memory_space<vmem>>, %arg6: memref<720x128xf32, #tpu.memory_space<vmem>>, %arg7: memref<!tpu.dma_semaphore, #tpu.memory_space<semaphore_mem>>) attributes {dimension_semantics = [#tpu.dimension_semantics<core_parallel>, #tpu.dimension_semantics<subcore_parallel>], iteration_bounds = array<i64: 2, 16>, scalar_prefetch = 0 : i64, scratch_operands = 3 : i64, tpu.core_type = #tpu.core_type<sc_vector_subcore>, window_params = [{transform_indices = #map}, {transform_indices = #map1}, {transform_indices = #map}]} {
    %mul3A = arith.constant 2 : i32
    %mul3A_0 = arith.muli %arg1, %mul3A : i32
    %add3A = arith.addi %mul3A_0, %arg0 : i32
    "tpu.region"() ({
      %run_scoped3A = tpu.sem_alloc : memref<!tpu.dma_semaphore, #tpu.memory_space<semaphore_mem>>
      %dma_start3A_121 = arith.constant 0 : i32
      %dma_start3A_122 = arith.constant 0 : i32
      %dma_start3A_123 = tpu.memref_slice %arg3[%add3A, %dma_start3A_121, %dma_start3A_122] : memref<32x6x120xi32, #tpu.memory_space<hbm>> -> memref<1x6x120xi32, #tpu.memory_space<hbm>>
      %dma_start3A_124 = tpu.memref_squeeze %dma_start3A_123 : memref<1x6x120xi32, #tpu.memory_space<hbm>> -> memref<6x120xi32, #tpu.memory_space<hbm>>
      %dma_start3A_125 = arith.constant 0 : i32
      %dma_start3A_126 = arith.constant 0 : i32
      %dma_start3A_127 = tpu.memref_slice %arg3[%add3A, %dma_start3A_125, %dma_start3A_126] : memref<32x6x120xi32, #tpu.memory_space<hbm>> -> memref<1x6x120xi32, #tpu.memory_space<hbm>>
      %dma_start3A_128 = tpu.memref_squeeze %dma_start3A_127 : memref<1x6x120xi32, #tpu.memory_space<hbm>> -> memref<6x120xi32, #tpu.memory_space<hbm>>
      tpu.enqueue_dma source(%dma_start3A_128 : memref<6x120xi32, #tpu.memory_space<hbm>>) target(%arg5 : memref<6x120xi32, #tpu.memory_space<vmem>>) target_semaphore(%run_scoped3A : memref<!tpu.dma_semaphore, #tpu.memory_space<semaphore_mem>>)
      %dma_wait3A_129 = arith.constant 0 : i32
      %dma_wait3A_130 = arith.constant 0 : i32
      %dma_wait3A_131 = tpu.memref_slice %arg3[%add3A, %dma_wait3A_129, %dma_wait3A_130] : memref<32x6x120xi32, #tpu.memory_space<hbm>> -> memref<1x6x120xi32, #tpu.memory_space<hbm>>
      %dma_wait3A_132 = tpu.memref_squeeze %dma_wait3A_131 : memref<1x6x120xi32, #tpu.memory_space<hbm>> -> memref<6x120xi32, #tpu.memory_space<hbm>>
      %dma_wait3A_133 = arith.constant 0 : i32
      %dma_wait3A_134 = arith.constant 0 : i32
      %dma_wait3A_135 = tpu.memref_slice %arg3[%add3A, %dma_wait3A_133, %dma_wait3A_134] : memref<32x6x120xi32, #tpu.memory_space<hbm>> -> memref<1x6x120xi32, #tpu.memory_space<hbm>>
      %dma_wait3A_136 = tpu.memref_squeeze %dma_wait3A_135 : memref<1x6x120xi32, #tpu.memory_space<hbm>> -> memref<6x120xi32, #tpu.memory_space<hbm>>
      tpu.wait_dma2 semaphore(%run_scoped3A : memref<!tpu.dma_semaphore, #tpu.memory_space<semaphore_mem>>) src(%dma_wait3A_136 : memref<6x120xi32, #tpu.memory_space<hbm>>) dst(%arg5 : memref<6x120xi32, #tpu.memory_space<vmem>>)
      tpu.yield
    }) : () -> ()
    %dma_start3A = arith.constant 0 : i32
    %dma_start3A_1 = arith.constant 0 : i32
    %dma_start3A_2 = arith.constant 0 : i32
    %dma_start3A_3 = tpu.memref_slice %arg6[%dma_start3A_1, %dma_start3A_2] : memref<720x128xf32, #tpu.memory_space<vmem>> -> memref<120x128xf32, #tpu.memory_space<vmem>>
    %dma_start3A_4 = arith.constant 0 : i32
    %dma_start3A_5 = tpu.memref_slice %arg5[%dma_start3A, %dma_start3A_4] : memref<6x120xi32, #tpu.memory_space<vmem>> -> memref<1x120xi32, #tpu.memory_space<vmem>>
    %dma_start3A_6 = tpu.memref_squeeze %dma_start3A_5 : memref<1x120xi32, #tpu.memory_space<vmem>> -> memref<120xi32, #tpu.memory_space<vmem>>
    %dma_start3A_7 = arith.constant 0 : i32
    %dma_start3A_8 = arith.constant 0 : i32
    %dma_start3A_9 = tpu.memref_slice %arg2[%dma_start3A_7, %dma_start3A_8] : memref<100000x128xf32, #tpu.memory_space<hbm>> -> memref<100000x128xf32, #tpu.memory_space<hbm>>
    tpu.enqueue_indirect_dma source(%dma_start3A_9 : memref<100000x128xf32, #tpu.memory_space<hbm>>) target(%dma_start3A_3 : memref<120x128xf32, #tpu.memory_space<vmem>>) offsets(%dma_start3A_6 : memref<120xi32, #tpu.memory_space<vmem>>) semaphore(%arg7 : memref<!tpu.dma_semaphore, #tpu.memory_space<semaphore_mem>>)
    %dma_wait3A = arith.constant 0 : i32
    %dma_wait3A_10 = arith.constant 0 : i32
    %dma_wait3A_11 = arith.constant 0 : i32
    %dma_wait3A_12 = tpu.memref_slice %arg6[%dma_wait3A_10, %dma_wait3A_11] : memref<720x128xf32, #tpu.memory_space<vmem>> -> memref<120x128xf32, #tpu.memory_space<vmem>>
    %dma_wait3A_13 = arith.constant 0 : i32
    %dma_wait3A_14 = tpu.memref_slice %arg5[%dma_wait3A, %dma_wait3A_13] : memref<6x120xi32, #tpu.memory_space<vmem>> -> memref<1x120xi32, #tpu.memory_space<vmem>>
    %dma_wait3A_15 = tpu.memref_squeeze %dma_wait3A_14 : memref<1x120xi32, #tpu.memory_space<vmem>> -> memref<120xi32, #tpu.memory_space<vmem>>
    %dma_wait3A_16 = arith.constant 0 : i32
    %dma_wait3A_17 = arith.constant 0 : i32
    %dma_wait3A_18 = tpu.memref_slice %arg2[%dma_wait3A_16, %dma_wait3A_17] : memref<100000x128xf32, #tpu.memory_space<hbm>> -> memref<100000x128xf32, #tpu.memory_space<hbm>>
    tpu.wait_indirect_dma semaphore(%arg7 : memref<!tpu.dma_semaphore, #tpu.memory_space<semaphore_mem>>) src(%dma_wait3A_18 : memref<100000x128xf32, #tpu.memory_space<hbm>>) dst(%dma_wait3A_12 : memref<120x128xf32, #tpu.memory_space<vmem>>)
    %dma_start3A_19 = arith.constant 1 : i32
    %dma_start3A_20 = arith.constant 120 : i32
    %dma_start3A_21 = arith.constant 0 : i32
    %dma_start3A_22 = tpu.memref_slice %arg6[%dma_start3A_20, %dma_start3A_21] : memref<720x128xf32, #tpu.memory_space<vmem>> -> memref<120x128xf32, #tpu.memory_space<vmem>>
    %dma_start3A_23 = arith.constant 0 : i32
    %dma_start3A_24 = tpu.memref_slice %arg5[%dma_start3A_19, %dma_start3A_23] : memref<6x120xi32, #tpu.memory_space<vmem>> -> memref<1x120xi32, #tpu.memory_space<vmem>>
    %dma_start3A_25 = tpu.memref_squeeze %dma_start3A_24 : memref<1x120xi32, #tpu.memory_space<vmem>> -> memref<120xi32, #tpu.memory_space<vmem>>
    %dma_start3A_26 = arith.constant 0 : i32
    %dma_start3A_27 = arith.constant 0 : i32
    %dma_start3A_28 = tpu.memref_slice %arg2[%dma_start3A_26, %dma_start3A_27] : memref<100000x128xf32, #tpu.memory_space<hbm>> -> memref<100000x128xf32, #tpu.memory_space<hbm>>
    tpu.enqueue_indirect_dma source(%dma_start3A_28 : memref<100000x128xf32, #tpu.memory_space<hbm>>) target(%dma_start3A_22 : memref<120x128xf32, #tpu.memory_space<vmem>>) offsets(%dma_start3A_25 : memref<120xi32, #tpu.memory_space<vmem>>) semaphore(%arg7 : memref<!tpu.dma_semaphore, #tpu.memory_space<semaphore_mem>>)
    %dma_wait3A_29 = arith.constant 1 : i32
    %dma_wait3A_30 = arith.constant 120 : i32
    %dma_wait3A_31 = arith.constant 0 : i32
    %dma_wait3A_32 = tpu.memref_slice %arg6[%dma_wait3A_30, %dma_wait3A_31] : memref<720x128xf32, #tpu.memory_space<vmem>> -> memref<120x128xf32, #tpu.memory_space<vmem>>
    %dma_wait3A_33 = arith.constant 0 : i32
    %dma_wait3A_34 = tpu.memref_slice %arg5[%dma_wait3A_29, %dma_wait3A_33] : memref<6x120xi32, #tpu.memory_space<vmem>> -> memref<1x120xi32, #tpu.memory_space<vmem>>
    %dma_wait3A_35 = tpu.memref_squeeze %dma_wait3A_34 : memref<1x120xi32, #tpu.memory_space<vmem>> -> memref<120xi32, #tpu.memory_space<vmem>>
    %dma_wait3A_36 = arith.constant 0 : i32
    %dma_wait3A_37 = arith.constant 0 : i32
    %dma_wait3A_38 = tpu.memref_slice %arg2[%dma_wait3A_36, %dma_wait3A_37] : memref<100000x128xf32, #tpu.memory_space<hbm>> -> memref<100000x128xf32, #tpu.memory_space<hbm>>
    tpu.wait_indirect_dma semaphore(%arg7 : memref<!tpu.dma_semaphore, #tpu.memory_space<semaphore_mem>>) src(%dma_wait3A_38 : memref<100000x128xf32, #tpu.memory_space<hbm>>) dst(%dma_wait3A_32 : memref<120x128xf32, #tpu.memory_space<vmem>>)
    %dma_start3A_39 = arith.constant 2 : i32
    %dma_start3A_40 = arith.constant 240 : i32
    %dma_start3A_41 = arith.constant 0 : i32
    %dma_start3A_42 = tpu.memref_slice %arg6[%dma_start3A_40, %dma_start3A_41] : memref<720x128xf32, #tpu.memory_space<vmem>> -> memref<120x128xf32, #tpu.memory_space<vmem>>
    %dma_start3A_43 = arith.constant 0 : i32
    %dma_start3A_44 = tpu.memref_slice %arg5[%dma_start3A_39, %dma_start3A_43] : memref<6x120xi32, #tpu.memory_space<vmem>> -> memref<1x120xi32, #tpu.memory_space<vmem>>
    %dma_start3A_45 = tpu.memref_squeeze %dma_start3A_44 : memref<1x120xi32, #tpu.memory_space<vmem>> -> memref<120xi32, #tpu.memory_space<vmem>>
    %dma_start3A_46 = arith.constant 0 : i32
    %dma_start3A_47 = arith.constant 0 : i32
    %dma_start3A_48 = tpu.memref_slice %arg2[%dma_start3A_46, %dma_start3A_47] : memref<100000x128xf32, #tpu.memory_space<hbm>> -> memref<100000x128xf32, #tpu.memory_space<hbm>>
    tpu.enqueue_indirect_dma source(%dma_start3A_48 : memref<100000x128xf32, #tpu.memory_space<hbm>>) target(%dma_start3A_42 : memref<120x128xf32, #tpu.memory_space<vmem>>) offsets(%dma_start3A_45 : memref<120xi32, #tpu.memory_space<vmem>>) semaphore(%arg7 : memref<!tpu.dma_semaphore, #tpu.memory_space<semaphore_mem>>)
    %dma_wait3A_49 = arith.constant 2 : i32
    %dma_wait3A_50 = arith.constant 240 : i32
    %dma_wait3A_51 = arith.constant 0 : i32
    %dma_wait3A_52 = tpu.memref_slice %arg6[%dma_wait3A_50, %dma_wait3A_51] : memref<720x128xf32, #tpu.memory_space<vmem>> -> memref<120x128xf32, #tpu.memory_space<vmem>>
    %dma_wait3A_53 = arith.constant 0 : i32
    %dma_wait3A_54 = tpu.memref_slice %arg5[%dma_wait3A_49, %dma_wait3A_53] : memref<6x120xi32, #tpu.memory_space<vmem>> -> memref<1x120xi32, #tpu.memory_space<vmem>>
    %dma_wait3A_55 = tpu.memref_squeeze %dma_wait3A_54 : memref<1x120xi32, #tpu.memory_space<vmem>> -> memref<120xi32, #tpu.memory_space<vmem>>
    %dma_wait3A_56 = arith.constant 0 : i32
    %dma_wait3A_57 = arith.constant 0 : i32
    %dma_wait3A_58 = tpu.memref_slice %arg2[%dma_wait3A_56, %dma_wait3A_57] : memref<100000x128xf32, #tpu.memory_space<hbm>> -> memref<100000x128xf32, #tpu.memory_space<hbm>>
    tpu.wait_indirect_dma semaphore(%arg7 : memref<!tpu.dma_semaphore, #tpu.memory_space<semaphore_mem>>) src(%dma_wait3A_58 : memref<100000x128xf32, #tpu.memory_space<hbm>>) dst(%dma_wait3A_52 : memref<120x128xf32, #tpu.memory_space<vmem>>)
    %dma_start3A_59 = arith.constant 3 : i32
    %dma_start3A_60 = arith.constant 360 : i32
    %dma_start3A_61 = arith.constant 0 : i32
    %dma_start3A_62 = tpu.memref_slice %arg6[%dma_start3A_60, %dma_start3A_61] : memref<720x128xf32, #tpu.memory_space<vmem>> -> memref<120x128xf32, #tpu.memory_space<vmem>>
    %dma_start3A_63 = arith.constant 0 : i32
    %dma_start3A_64 = tpu.memref_slice %arg5[%dma_start3A_59, %dma_start3A_63] : memref<6x120xi32, #tpu.memory_space<vmem>> -> memref<1x120xi32, #tpu.memory_space<vmem>>
    %dma_start3A_65 = tpu.memref_squeeze %dma_start3A_64 : memref<1x120xi32, #tpu.memory_space<vmem>> -> memref<120xi32, #tpu.memory_space<vmem>>
    %dma_start3A_66 = arith.constant 0 : i32
    %dma_start3A_67 = arith.constant 0 : i32
    %dma_start3A_68 = tpu.memref_slice %arg2[%dma_start3A_66, %dma_start3A_67] : memref<100000x128xf32, #tpu.memory_space<hbm>> -> memref<100000x128xf32, #tpu.memory_space<hbm>>
    tpu.enqueue_indirect_dma source(%dma_start3A_68 : memref<100000x128xf32, #tpu.memory_space<hbm>>) target(%dma_start3A_62 : memref<120x128xf32, #tpu.memory_space<vmem>>) offsets(%dma_start3A_65 : memref<120xi32, #tpu.memory_space<vmem>>) semaphore(%arg7 : memref<!tpu.dma_semaphore, #tpu.memory_space<semaphore_mem>>)
    %dma_wait3A_69 = arith.constant 3 : i32
    %dma_wait3A_70 = arith.constant 360 : i32
    %dma_wait3A_71 = arith.constant 0 : i32
    %dma_wait3A_72 = tpu.memref_slice %arg6[%dma_wait3A_70, %dma_wait3A_71] : memref<720x128xf32, #tpu.memory_space<vmem>> -> memref<120x128xf32, #tpu.memory_space<vmem>>
    %dma_wait3A_73 = arith.constant 0 : i32
    %dma_wait3A_74 = tpu.memref_slice %arg5[%dma_wait3A_69, %dma_wait3A_73] : memref<6x120xi32, #tpu.memory_space<vmem>> -> memref<1x120xi32, #tpu.memory_space<vmem>>
    %dma_wait3A_75 = tpu.memref_squeeze %dma_wait3A_74 : memref<1x120xi32, #tpu.memory_space<vmem>> -> memref<120xi32, #tpu.memory_space<vmem>>
    %dma_wait3A_76 = arith.constant 0 : i32
    %dma_wait3A_77 = arith.constant 0 : i32
    %dma_wait3A_78 = tpu.memref_slice %arg2[%dma_wait3A_76, %dma_wait3A_77] : memref<100000x128xf32, #tpu.memory_space<hbm>> -> memref<100000x128xf32, #tpu.memory_space<hbm>>
    tpu.wait_indirect_dma semaphore(%arg7 : memref<!tpu.dma_semaphore, #tpu.memory_space<semaphore_mem>>) src(%dma_wait3A_78 : memref<100000x128xf32, #tpu.memory_space<hbm>>) dst(%dma_wait3A_72 : memref<120x128xf32, #tpu.memory_space<vmem>>)
    %dma_start3A_79 = arith.constant 4 : i32
    %dma_start3A_80 = arith.constant 480 : i32
    %dma_start3A_81 = arith.constant 0 : i32
    %dma_start3A_82 = tpu.memref_slice %arg6[%dma_start3A_80, %dma_start3A_81] : memref<720x128xf32, #tpu.memory_space<vmem>> -> memref<120x128xf32, #tpu.memory_space<vmem>>
    %dma_start3A_83 = arith.constant 0 : i32
    %dma_start3A_84 = tpu.memref_slice %arg5[%dma_start3A_79, %dma_start3A_83] : memref<6x120xi32, #tpu.memory_space<vmem>> -> memref<1x120xi32, #tpu.memory_space<vmem>>
    %dma_start3A_85 = tpu.memref_squeeze %dma_start3A_84 : memref<1x120xi32, #tpu.memory_space<vmem>> -> memref<120xi32, #tpu.memory_space<vmem>>
    %dma_start3A_86 = arith.constant 0 : i32
    %dma_start3A_87 = arith.constant 0 : i32
    %dma_start3A_88 = tpu.memref_slice %arg2[%dma_start3A_86, %dma_start3A_87] : memref<100000x128xf32, #tpu.memory_space<hbm>> -> memref<100000x128xf32, #tpu.memory_space<hbm>>
    tpu.enqueue_indirect_dma source(%dma_start3A_88 : memref<100000x128xf32, #tpu.memory_space<hbm>>) target(%dma_start3A_82 : memref<120x128xf32, #tpu.memory_space<vmem>>) offsets(%dma_start3A_85 : memref<120xi32, #tpu.memory_space<vmem>>) semaphore(%arg7 : memref<!tpu.dma_semaphore, #tpu.memory_space<semaphore_mem>>)
    %dma_wait3A_89 = arith.constant 4 : i32
    %dma_wait3A_90 = arith.constant 480 : i32
    %dma_wait3A_91 = arith.constant 0 : i32
    %dma_wait3A_92 = tpu.memref_slice %arg6[%dma_wait3A_90, %dma_wait3A_91] : memref<720x128xf32, #tpu.memory_space<vmem>> -> memref<120x128xf32, #tpu.memory_space<vmem>>
    %dma_wait3A_93 = arith.constant 0 : i32
    %dma_wait3A_94 = tpu.memref_slice %arg5[%dma_wait3A_89, %dma_wait3A_93] : memref<6x120xi32, #tpu.memory_space<vmem>> -> memref<1x120xi32, #tpu.memory_space<vmem>>
    %dma_wait3A_95 = tpu.memref_squeeze %dma_wait3A_94 : memref<1x120xi32, #tpu.memory_space<vmem>> -> memref<120xi32, #tpu.memory_space<vmem>>
    %dma_wait3A_96 = arith.constant 0 : i32
    %dma_wait3A_97 = arith.constant 0 : i32
    %dma_wait3A_98 = tpu.memref_slice %arg2[%dma_wait3A_96, %dma_wait3A_97] : memref<100000x128xf32, #tpu.memory_space<hbm>> -> memref<100000x128xf32, #tpu.memory_space<hbm>>
    tpu.wait_indirect_dma semaphore(%arg7 : memref<!tpu.dma_semaphore, #tpu.memory_space<semaphore_mem>>) src(%dma_wait3A_98 : memref<100000x128xf32, #tpu.memory_space<hbm>>) dst(%dma_wait3A_92 : memref<120x128xf32, #tpu.memory_space<vmem>>)
    %dma_start3A_99 = arith.constant 5 : i32
    %dma_start3A_100 = arith.constant 600 : i32
    %dma_start3A_101 = arith.constant 0 : i32
    %dma_start3A_102 = tpu.memref_slice %arg6[%dma_start3A_100, %dma_start3A_101] : memref<720x128xf32, #tpu.memory_space<vmem>> -> memref<120x128xf32, #tpu.memory_space<vmem>>
    %dma_start3A_103 = arith.constant 0 : i32
    %dma_start3A_104 = tpu.memref_slice %arg5[%dma_start3A_99, %dma_start3A_103] : memref<6x120xi32, #tpu.memory_space<vmem>> -> memref<1x120xi32, #tpu.memory_space<vmem>>
    %dma_start3A_105 = tpu.memref_squeeze %dma_start3A_104 : memref<1x120xi32, #tpu.memory_space<vmem>> -> memref<120xi32, #tpu.memory_space<vmem>>
    %dma_start3A_106 = arith.constant 0 : i32
    %dma_start3A_107 = arith.constant 0 : i32
    %dma_start3A_108 = tpu.memref_slice %arg2[%dma_start3A_106, %dma_start3A_107] : memref<100000x128xf32, #tpu.memory_space<hbm>> -> memref<100000x128xf32, #tpu.memory_space<hbm>>
    tpu.enqueue_indirect_dma source(%dma_start3A_108 : memref<100000x128xf32, #tpu.memory_space<hbm>>) target(%dma_start3A_102 : memref<120x128xf32, #tpu.memory_space<vmem>>) offsets(%dma_start3A_105 : memref<120xi32, #tpu.memory_space<vmem>>) semaphore(%arg7 : memref<!tpu.dma_semaphore, #tpu.memory_space<semaphore_mem>>)
    %dma_wait3A_109 = arith.constant 5 : i32
    %dma_wait3A_110 = arith.constant 600 : i32
    %dma_wait3A_111 = arith.constant 0 : i32
    %dma_wait3A_112 = tpu.memref_slice %arg6[%dma_wait3A_110, %dma_wait3A_111] : memref<720x128xf32, #tpu.memory_space<vmem>> -> memref<120x128xf32, #tpu.memory_space<vmem>>
    %dma_wait3A_113 = arith.constant 0 : i32
    %dma_wait3A_114 = tpu.memref_slice %arg5[%dma_wait3A_109, %dma_wait3A_113] : memref<6x120xi32, #tpu.memory_space<vmem>> -> memref<1x120xi32, #tpu.memory_space<vmem>>
    %dma_wait3A_115 = tpu.memref_squeeze %dma_wait3A_114 : memref<1x120xi32, #tpu.memory_space<vmem>> -> memref<120xi32, #tpu.memory_space<vmem>>
    %dma_wait3A_116 = arith.constant 0 : i32
    %dma_wait3A_117 = arith.constant 0 : i32
    %dma_wait3A_118 = tpu.memref_slice %arg2[%dma_wait3A_116, %dma_wait3A_117] : memref<100000x128xf32, #tpu.memory_space<hbm>> -> memref<100000x128xf32, #tpu.memory_space<hbm>>
    tpu.wait_indirect_dma semaphore(%arg7 : memref<!tpu.dma_semaphore, #tpu.memory_space<semaphore_mem>>) src(%dma_wait3A_118 : memref<100000x128xf32, #tpu.memory_space<hbm>>) dst(%dma_wait3A_112 : memref<120x128xf32, #tpu.memory_space<vmem>>)
    %mul3A_119 = arith.constant 720 : i32
    %mul3A_120 = arith.muli %add3A, %mul3A_119 : i32
    "tpu.region"() ({
      %run_scoped3A = tpu.sem_alloc : memref<!tpu.dma_semaphore, #tpu.memory_space<semaphore_mem>>
      %dma_start3A_121 = arith.constant 0 : i32
      %dma_start3A_122 = tpu.memref_slice %arg4[%mul3A_120, %dma_start3A_121] : memref<23040x128xf32, #tpu.memory_space<hbm>> -> memref<720x128xf32, #tpu.memory_space<hbm>>
      %dma_start3A_123 = arith.constant 0 : i32
      %dma_start3A_124 = tpu.memref_slice %arg4[%mul3A_120, %dma_start3A_123] : memref<23040x128xf32, #tpu.memory_space<hbm>> -> memref<720x128xf32, #tpu.memory_space<hbm>>
      tpu.enqueue_dma source(%arg6 : memref<720x128xf32, #tpu.memory_space<vmem>>) target(%dma_start3A_124 : memref<720x128xf32, #tpu.memory_space<hbm>>) target_semaphore(%run_scoped3A : memref<!tpu.dma_semaphore, #tpu.memory_space<semaphore_mem>>)
      %dma_wait3A_125 = arith.constant 0 : i32
      %dma_wait3A_126 = tpu.memref_slice %arg4[%mul3A_120, %dma_wait3A_125] : memref<23040x128xf32, #tpu.memory_space<hbm>> -> memref<720x128xf32, #tpu.memory_space<hbm>>
      %dma_wait3A_127 = arith.constant 0 : i32
      %dma_wait3A_128 = tpu.memref_slice %arg4[%mul3A_120, %dma_wait3A_127] : memref<23040x128xf32, #tpu.memory_space<hbm>> -> memref<720x128xf32, #tpu.memory_space<hbm>>
      tpu.wait_dma2 semaphore(%run_scoped3A : memref<!tpu.dma_semaphore, #tpu.memory_space<semaphore_mem>>) src(%arg6 : memref<720x128xf32, #tpu.memory_space<vmem>>) dst(%dma_wait3A_128 : memref<720x128xf32, #tpu.memory_space<hbm>>)
      tpu.yield
    }) : () -> ()
    return
  }
}

module attributes {stable_mosaic.version = 14 : i64} {
  func.func @_story_body(%arg0: i32, %arg1: memref<50x256x64xf32, #tpu.memory_space<vmem>>, %arg2: memref<128x512xf32, #tpu.memory_space<vmem>>, %arg3: memref<128x512xf32, #tpu.memory_space<vmem>>, %arg4: memref<1x512xf32, #tpu.memory_space<vmem>>, %arg5: memref<128x320xf32, #tpu.memory_space<vmem>>, %arg6: memref<1x320xf32, #tpu.memory_space<vmem>>, %arg7: memref<50x64x256xf32, #tpu.memory_space<vmem>>, %arg8: memref<50x64x256xf32, #tpu.memory_space<vmem>>, %arg9: memref<256x128xf32, #tpu.memory_space<vmem>>, %arg10: memref<256x128xf32, #tpu.memory_space<vmem>>, %arg11: memref<64x64x256xf32, #tpu.memory_space<vmem>>, %arg12: memref<256x64xf32, #tpu.memory_space<vmem>>, %arg13: memref<64x256xf32, #tpu.memory_space<vmem>>) attributes {dimension_semantics = [#tpu.dimension_semantics<arbitrary>], iteration_bounds = array<i64: 1>, scalar_prefetch = 0 : i64, scratch_operands = 0 : i64, tpu.core_type = #tpu.core_type<tc>, window_params = [{transform_indices = @transform_0, window_bounds = array<i64: 50, 256, 64>}, {pipeline_mode = #tpu.pipeline_mode<synchronous>, transform_indices = @transform_1, window_bounds = array<i64: 128, 512>}, {pipeline_mode = #tpu.pipeline_mode<synchronous>, transform_indices = @transform_2, window_bounds = array<i64: 128, 512>}, {pipeline_mode = #tpu.pipeline_mode<synchronous>, transform_indices = @transform_3, window_bounds = array<i64: 1, 512>}, {pipeline_mode = #tpu.pipeline_mode<synchronous>, transform_indices = @transform_4, window_bounds = array<i64: 128, 320>}, {pipeline_mode = #tpu.pipeline_mode<synchronous>, transform_indices = @transform_5, window_bounds = array<i64: 1, 320>}, {transform_indices = @transform_6, window_bounds = array<i64: 50, 64, 256>}, {transform_indices = @transform_7, window_bounds = array<i64: 50, 64, 256>}, {transform_indices = @transform_8, window_bounds = array<i64: 256, 128>}, {transform_indices = @transform_9, window_bounds = array<i64: 256, 128>}, {transform_indices = @transform_10, window_bounds = array<i64: 64, 64, 256>}, {transform_indices = @transform_11, window_bounds = array<i64: 256, 64>}, {transform_indices = @transform_12, window_bounds = array<i64: 64, 256>}]} {
    %get3A = arith.constant 0 : index
    %get3A_0 = arith.constant 0 : index
    %get3A_1 = vector.load %arg2[%get3A, %get3A_0] : memref<128x512xf32, #tpu.memory_space<vmem>>, vector<128x512xf32>
    %get3A_2 = arith.constant 0 : index
    %get3A_3 = arith.constant 0 : index
    %get3A_4 = vector.load %arg3[%get3A_2, %get3A_3] : memref<128x512xf32, #tpu.memory_space<vmem>>, vector<128x512xf32>
    %get3A_5 = arith.constant 0 : index
    %get3A_6 = arith.constant 0 : index
    %get3A_7 = vector.load %arg5[%get3A_5, %get3A_6] : memref<128x320xf32, #tpu.memory_space<vmem>>, vector<128x320xf32>
    %get3A_8 = arith.constant 0 : index
    %get3A_9 = arith.constant 0 : index
    %get3A_10 = vector.load %arg4[%get3A_8, %get3A_9] : memref<1x512xf32, #tpu.memory_space<vmem>>, vector<1x512xf32>
    %get3A_11 = arith.constant 0 : index
    %get3A_12 = arith.constant 0 : index
    %get3A_13 = vector.load %arg6[%get3A_11, %get3A_12] : memref<1x320xf32, #tpu.memory_space<vmem>>, vector<1x320xf32>
    %broadcast_in_dim3A = arith.constant 0.000000e+00 : f32
    %broadcast_in_dim3A_14 = vector.broadcast %broadcast_in_dim3A : f32 to vector<256x128xf32>
    %broadcast_in_dim3A_15 = arith.constant 0.000000e+00 : f32
    %broadcast_in_dim3A_16 = vector.broadcast %broadcast_in_dim3A_15 : f32 to vector<256x128xf32>
    %broadcast_in_dim3A_17 = arith.constant 0.000000e+00 : f32
    %broadcast_in_dim3A_18 = vector.broadcast %broadcast_in_dim3A_17 : f32 to vector<64x64x256xf32>
    %broadcast_in_dim3A_19 = arith.constant 0.000000e+00 : f32
    %broadcast_in_dim3A_20 = vector.broadcast %broadcast_in_dim3A_19 : f32 to vector<256x64xf32>
    %broadcast_in_dim3A_21 = arith.constant 0.000000e+00 : f32
    %broadcast_in_dim3A_22 = vector.broadcast %broadcast_in_dim3A_21 : f32 to vector<64x256xf32>
    %scan3A = arith.constant 0 : i32
    %scan3A_23 = arith.constant 50 : i32
    %scan3A_24 = arith.addi %scan3A, %scan3A_23 : i32
    %scan3A_25 = arith.constant 1 : i32
    %scan3A_26:5 = scf.for %scan3A_43 = %scan3A to %scan3A_24 step %scan3A_25 iter_args(%scan3A_44 = %broadcast_in_dim3A_14, %scan3A_45 = %broadcast_in_dim3A_16, %scan3A_46 = %broadcast_in_dim3A_18, %scan3A_47 = %broadcast_in_dim3A_20, %scan3A_48 = %broadcast_in_dim3A_22) -> (vector<256x128xf32>, vector<256x128xf32>, vector<64x64x256xf32>, vector<256x64xf32>, vector<64x256xf32>)  : i32 {
      %get3A_49 = arith.index_cast %scan3A_43 : i32 to index
      %get3A_50 = arith.constant 0 : index
      %get3A_51 = arith.constant 0 : index
      %get3A_52 = vector.load %arg1[%get3A_49, %get3A_50, %get3A_51] : memref<50x256x64xf32, #tpu.memory_space<vmem>>, vector<1x256x64xf32>
      %get3A_53 = vector.shape_cast %get3A_52 : vector<1x256x64xf32> to vector<256x64xf32>
      %concatenate3A = tpu.concatenate %get3A_53, %scan3A_47 in 1 : vector<256x64xf32>, vector<256x64xf32> -> vector<256x128xf32>
      %dot_general3A = arith.constant dense<0.000000e+00> : vector<256x512xf32>
      %dot_general3A_54 = tpu.matmul %concatenate3A, %get3A_1, %dot_general3A {dimension_numbers = #tpu.dot_dimension_numbers<[1], [0], [0], [1], [0, 0, 1, 1], [], []>, precision = #tpu.contract_precision<fp32>, transpose_lhs_hint = false} : vector<256x128xf32>, vector<128x512xf32>, vector<256x512xf32> -> vector<256x512xf32>
      %dot_general3A_55 = arith.constant dense<0.000000e+00> : vector<256x512xf32>
      %dot_general3A_56 = tpu.matmul %scan3A_44, %get3A_4, %dot_general3A_55 {dimension_numbers = #tpu.dot_dimension_numbers<[1], [0], [0], [1], [0, 0, 1, 1], [], []>, precision = #tpu.contract_precision<fp32>, transpose_lhs_hint = false} : vector<256x128xf32>, vector<128x512xf32>, vector<256x512xf32> -> vector<256x512xf32>
      %add3A = arith.addf %dot_general3A_54, %dot_general3A_56 : vector<256x512xf32>
      %add3A_57 = vector.broadcast %get3A_10 : vector<1x512xf32> to vector<256x512xf32>
      %add3A_58 = arith.addf %add3A, %add3A_57 : vector<256x512xf32>
      %slice3A = vector.extract_strided_slice %add3A_58 {offsets = [0, 0], sizes = [256, 128], strides = [1, 1]} : vector<256x512xf32> to vector<256x128xf32>
      %slice3A_59 = vector.extract_strided_slice %add3A_58 {offsets = [0, 128], sizes = [256, 128], strides = [1, 1]} : vector<256x512xf32> to vector<256x128xf32>
      %slice3A_60 = vector.extract_strided_slice %add3A_58 {offsets = [0, 256], sizes = [256, 128], strides = [1, 1]} : vector<256x512xf32> to vector<256x128xf32>
      %slice3A_61 = vector.extract_strided_slice %add3A_58 {offsets = [0, 384], sizes = [256, 128], strides = [1, 1]} : vector<256x512xf32> to vector<256x128xf32>
      %logistic3A = arith.negf %slice3A_59 : vector<256x128xf32>
      %logistic3A_62 = math.exp %logistic3A : vector<256x128xf32>
      %logistic3A_63 = arith.constant 1.000000e+00 : f32
      %logistic3A_64 = vector.broadcast %logistic3A_63 : f32 to vector<256x128xf32>
      %logistic3A_65 = arith.addf %logistic3A_64, %logistic3A_62 : vector<256x128xf32>
      %logistic3A_66 = arith.divf %logistic3A_64, %logistic3A_65 : vector<256x128xf32>
      %mul3A = arith.mulf %logistic3A_66, %scan3A_45 : vector<256x128xf32>
      %logistic3A_67 = arith.negf %slice3A : vector<256x128xf32>
      %logistic3A_68 = math.exp %logistic3A_67 : vector<256x128xf32>
      %logistic3A_69 = arith.constant 1.000000e+00 : f32
      %logistic3A_70 = vector.broadcast %logistic3A_69 : f32 to vector<256x128xf32>
      %logistic3A_71 = arith.addf %logistic3A_70, %logistic3A_68 : vector<256x128xf32>
      %logistic3A_72 = arith.divf %logistic3A_70, %logistic3A_71 : vector<256x128xf32>
      %tanh3A = math.tanh %slice3A_60 : vector<256x128xf32>
      %mul3A_73 = arith.mulf %logistic3A_72, %tanh3A : vector<256x128xf32>
      %add3A_74 = arith.addf %mul3A, %mul3A_73 : vector<256x128xf32>
      %logistic3A_75 = arith.negf %slice3A_61 : vector<256x128xf32>
      %logistic3A_76 = math.exp %logistic3A_75 : vector<256x128xf32>
      %logistic3A_77 = arith.constant 1.000000e+00 : f32
      %logistic3A_78 = vector.broadcast %logistic3A_77 : f32 to vector<256x128xf32>
      %logistic3A_79 = arith.addf %logistic3A_78, %logistic3A_76 : vector<256x128xf32>
      %logistic3A_80 = arith.divf %logistic3A_78, %logistic3A_79 : vector<256x128xf32>
      %tanh3A_81 = math.tanh %add3A_74 : vector<256x128xf32>
      %mul3A_82 = arith.mulf %logistic3A_80, %tanh3A_81 : vector<256x128xf32>
      %jit3A = arith.constant -2.000000e+01 : f32
      %jit3A_83 = arith.constant 2.000000e+01 : f32
      %max3A = vector.broadcast %jit3A : f32 to vector<256x128xf32>
      %max3A_84 = arith.maximumf %max3A, %mul3A_82 : vector<256x128xf32>
      %min3A = vector.broadcast %jit3A_83 : f32 to vector<256x128xf32>
      %min3A_85 = arith.minimumf %min3A, %max3A_84 : vector<256x128xf32>
      %dot_general3A_86 = arith.constant dense<0.000000e+00> : vector<256x320xf32>
      %dot_general3A_87 = tpu.matmul %min3A_85, %get3A_7, %dot_general3A_86 {dimension_numbers = #tpu.dot_dimension_numbers<[1], [0], [0], [1], [0, 0, 1, 1], [], []>, precision = #tpu.contract_precision<fp32>, transpose_lhs_hint = false} : vector<256x128xf32>, vector<128x320xf32>, vector<256x320xf32> -> vector<256x320xf32>
      %add3A_88 = vector.broadcast %get3A_13 : vector<1x320xf32> to vector<256x320xf32>
      %add3A_89 = arith.addf %dot_general3A_87, %add3A_88 : vector<256x320xf32>
      %slice3A_90 = vector.extract_strided_slice %add3A_89 {offsets = [0, 0], sizes = [256, 256], strides = [1, 1]} : vector<256x320xf32> to vector<256x256xf32>
      %transpose3A = tpu.transpose %slice3A_90, [1, 0] : vector<256x256xf32> -> vector<256x256xf32>
      %slice3A_91 = vector.extract_strided_slice %transpose3A {offsets = [0, 0], sizes = [64, 256], strides = [1, 1]} : vector<256x256xf32> to vector<64x256xf32>
      %slice3A_92 = vector.extract_strided_slice %transpose3A {offsets = [64, 0], sizes = [64, 256], strides = [1, 1]} : vector<256x256xf32> to vector<64x256xf32>
      %logistic3A_93 = arith.negf %slice3A_92 : vector<64x256xf32>
      %logistic3A_94 = math.exp %logistic3A_93 : vector<64x256xf32>
      %logistic3A_95 = arith.constant 1.000000e+00 : f32
      %logistic3A_96 = vector.broadcast %logistic3A_95 : f32 to vector<64x256xf32>
      %logistic3A_97 = arith.addf %logistic3A_96, %logistic3A_94 : vector<64x256xf32>
      %logistic3A_98 = arith.divf %logistic3A_96, %logistic3A_97 : vector<64x256xf32>
      %slice3A_99 = vector.extract_strided_slice %transpose3A {offsets = [128, 0], sizes = [64, 256], strides = [1, 1]} : vector<256x256xf32> to vector<64x256xf32>
      %slice3A_100 = vector.extract_strided_slice %transpose3A {offsets = [192, 0], sizes = [64, 256], strides = [1, 1]} : vector<256x256xf32> to vector<64x256xf32>
      %slice3A_101 = vector.extract_strided_slice %add3A_89 {offsets = [0, 256], sizes = [256, 2], strides = [1, 1]} : vector<256x320xf32> to vector<256x2xf32>
      %transpose3A_102 = tpu.transpose %slice3A_101, [1, 0] : vector<256x2xf32> -> vector<2x256xf32>
      %slice3A_103 = vector.extract_strided_slice %transpose3A_102 {offsets = [0, 0], sizes = [1, 256], strides = [1, 1]} : vector<2x256xf32> to vector<1x256xf32>
      %custom_jvp_call3A = arith.constant 0.000000e+00 : f32
      %max3A_104 = vector.broadcast %custom_jvp_call3A : f32 to vector<1x256xf32>
      %max3A_105 = arith.maximumf %slice3A_103, %max3A_104 : vector<1x256xf32>
      %sub3A = vector.broadcast %custom_jvp_call3A : f32 to vector<1x256xf32>
      %sub3A_106 = arith.subf %slice3A_103, %sub3A : vector<1x256xf32>
      %ne3A = arith.cmpf one, %sub3A_106, %sub3A_106 : vector<1x256xf32>
      %add3A_107 = vector.broadcast %custom_jvp_call3A : f32 to vector<1x256xf32>
      %add3A_108 = arith.addf %slice3A_103, %add3A_107 : vector<1x256xf32>
      %abs3A = math.absf %sub3A_106 : vector<1x256xf32>
      %neg3A = arith.constant 0.000000e+00 : f32
      %neg3A_109 = vector.broadcast %neg3A : f32 to vector<1x256xf32>
      %neg3A_110 = arith.subf %neg3A_109, %abs3A : vector<1x256xf32>
      %exp3A = math.exp %neg3A_110 : vector<1x256xf32>
      %log1p3A = math.log1p %exp3A : vector<1x256xf32>
      %add3A_111 = arith.addf %max3A_105, %log1p3A : vector<1x256xf32>
      %select_n3A = arith.select %ne3A, %add3A_108, %add3A_111 : vector<1x256xi1>, vector<1x256xf32>
      %slice3A_112 = vector.extract_strided_slice %transpose3A_102 {offsets = [1, 0], sizes = [1, 256], strides = [1, 1]} : vector<2x256xf32> to vector<1x256xf32>
      %custom_jvp_call3A_113 = arith.constant 0.000000e+00 : f32
      %max3A_114 = vector.broadcast %custom_jvp_call3A_113 : f32 to vector<1x256xf32>
      %max3A_115 = arith.maximumf %slice3A_112, %max3A_114 : vector<1x256xf32>
      %sub3A_116 = vector.broadcast %custom_jvp_call3A_113 : f32 to vector<1x256xf32>
      %sub3A_117 = arith.subf %slice3A_112, %sub3A_116 : vector<1x256xf32>
      %ne3A_118 = arith.cmpf one, %sub3A_117, %sub3A_117 : vector<1x256xf32>
      %add3A_119 = vector.broadcast %custom_jvp_call3A_113 : f32 to vector<1x256xf32>
      %add3A_120 = arith.addf %slice3A_112, %add3A_119 : vector<1x256xf32>
      %abs3A_121 = math.absf %sub3A_117 : vector<1x256xf32>
      %neg3A_122 = arith.constant 0.000000e+00 : f32
      %neg3A_123 = vector.broadcast %neg3A_122 : f32 to vector<1x256xf32>
      %neg3A_124 = arith.subf %neg3A_123, %abs3A_121 : vector<1x256xf32>
      %exp3A_125 = math.exp %neg3A_124 : vector<1x256xf32>
      %log1p3A_126 = math.log1p %exp3A_125 : vector<1x256xf32>
      %add3A_127 = arith.addf %max3A_115, %log1p3A_126 : vector<1x256xf32>
      %select_n3A_128 = arith.select %ne3A_118, %add3A_120, %add3A_127 : vector<1x256xi1>, vector<1x256xf32>
      %mul3A_129 = arith.mulf %slice3A_91, %slice3A_91 : vector<64x256xf32>
      %reduce_sum3A = arith.constant dense<0.000000e+00> : vector<256xf32>
      %reduce_sum3A_130 = vector.multi_reduction <add>, %mul3A_129, %reduce_sum3A [0] : vector<64x256xf32> to vector<256xf32>
      %broadcast_in_dim3A_131 = vector.shape_cast %reduce_sum3A_130 : vector<256xf32> to vector<1x256xf32>
      %sqrt3A = math.sqrt %broadcast_in_dim3A_131 : vector<1x256xf32>
      %add3A_132 = arith.constant 9.99999997E-7 : f32
      %add3A_133 = vector.broadcast %add3A_132 : f32 to vector<1x256xf32>
      %add3A_134 = arith.addf %sqrt3A, %add3A_133 : vector<1x256xf32>
      %broadcast_in_dim3A_135 = vector.shape_cast %slice3A_91 : vector<64x256xf32> to vector<1x64x256xf32>
      %mul3A_136 = vector.broadcast %broadcast_in_dim3A_135 : vector<1x64x256xf32> to vector<64x64x256xf32>
      %mul3A_137 = arith.mulf %scan3A_46, %mul3A_136 : vector<64x64x256xf32>
      %reduce_sum3A_138 = arith.constant dense<0.000000e+00> : vector<64x256xf32>
      %reduce_sum3A_139 = vector.multi_reduction <add>, %mul3A_137, %reduce_sum3A_138 [1] : vector<64x64x256xf32> to vector<64x256xf32>
      %add3A_140 = arith.constant 9.99999997E-7 : f32
      %add3A_141 = vector.broadcast %add3A_140 : f32 to vector<64x256xf32>
      %add3A_142 = arith.addf %scan3A_48, %add3A_141 : vector<64x256xf32>
      %mul3A_143 = vector.broadcast %add3A_134 : vector<1x256xf32> to vector<64x256xf32>
      %mul3A_144 = arith.mulf %add3A_142, %mul3A_143 : vector<64x256xf32>
      %div3A = arith.divf %reduce_sum3A_139, %mul3A_144 : vector<64x256xf32>
      %mul3A_145 = vector.broadcast %select_n3A : vector<1x256xf32> to vector<64x256xf32>
      %mul3A_146 = arith.mulf %div3A, %mul3A_145 : vector<64x256xf32>
      %reduce_max3A = arith.constant dense<0xFF800000> : vector<256xf32>
      %reduce_max3A_147 = vector.multi_reduction <maximumf>, %mul3A_146, %reduce_max3A [0] : vector<64x256xf32> to vector<256xf32>
      %broadcast_in_dim3A_148 = vector.shape_cast %reduce_max3A_147 : vector<256xf32> to vector<1x256xf32>
      %sub3A_149 = vector.broadcast %broadcast_in_dim3A_148 : vector<1x256xf32> to vector<64x256xf32>
      %sub3A_150 = arith.subf %mul3A_146, %sub3A_149 : vector<64x256xf32>
      %exp3A_151 = math.exp %sub3A_150 : vector<64x256xf32>
      %reduce_sum3A_152 = arith.constant dense<0.000000e+00> : vector<256xf32>
      %reduce_sum3A_153 = vector.multi_reduction <add>, %exp3A_151, %reduce_sum3A_152 [0] : vector<64x256xf32> to vector<256xf32>
      %broadcast_in_dim3A_154 = vector.shape_cast %reduce_sum3A_153 : vector<256xf32> to vector<1x256xf32>
      %div3A_155 = vector.broadcast %broadcast_in_dim3A_154 : vector<1x256xf32> to vector<64x256xf32>
      %div3A_156 = arith.divf %exp3A_151, %div3A_155 : vector<64x256xf32>
      %broadcast_in_dim3A_157 = vector.shape_cast %div3A_156 : vector<64x256xf32> to vector<64x1x256xf32>
      %broadcast_in_dim3A_158 = vector.shape_cast %slice3A_99 : vector<64x256xf32> to vector<1x64x256xf32>
      %broadcast_in_dim3A_159 = vector.shape_cast %logistic3A_98 : vector<64x256xf32> to vector<1x64x256xf32>
      %mul3A_160 = vector.broadcast %broadcast_in_dim3A_159 : vector<1x64x256xf32> to vector<64x64x256xf32>
      %mul3A_161 = arith.mulf %scan3A_46, %mul3A_160 : vector<64x64x256xf32>
      %sub3A_162 = vector.broadcast %broadcast_in_dim3A_158 : vector<1x64x256xf32> to vector<64x64x256xf32>
      %sub3A_163 = arith.subf %sub3A_162, %mul3A_161 : vector<64x64x256xf32>
      %mul3A_164 = vector.broadcast %broadcast_in_dim3A_157 : vector<64x1x256xf32> to vector<64x64x256xf32>
      %mul3A_165 = arith.mulf %mul3A_164, %sub3A_163 : vector<64x64x256xf32>
      %add3A_166 = arith.addf %scan3A_46, %mul3A_165 : vector<64x64x256xf32>
      %mul3A_167 = arith.mulf %add3A_166, %add3A_166 : vector<64x64x256xf32>
      %reduce_sum3A_168 = arith.constant dense<0.000000e+00> : vector<64x256xf32>
      %reduce_sum3A_169 = vector.multi_reduction <add>, %mul3A_167, %reduce_sum3A_168 [1] : vector<64x64x256xf32> to vector<64x256xf32>
      %sqrt3A_170 = math.sqrt %reduce_sum3A_169 : vector<64x256xf32>
      %mul3A_171 = arith.mulf %slice3A_100, %slice3A_100 : vector<64x256xf32>
      %reduce_sum3A_172 = arith.constant dense<0.000000e+00> : vector<256xf32>
      %reduce_sum3A_173 = vector.multi_reduction <add>, %mul3A_171, %reduce_sum3A_172 [0] : vector<64x256xf32> to vector<256xf32>
      %broadcast_in_dim3A_174 = vector.shape_cast %reduce_sum3A_173 : vector<256xf32> to vector<1x256xf32>
      %sqrt3A_175 = math.sqrt %broadcast_in_dim3A_174 : vector<1x256xf32>
      %add3A_176 = arith.constant 9.99999997E-7 : f32
      %add3A_177 = vector.broadcast %add3A_176 : f32 to vector<1x256xf32>
      %add3A_178 = arith.addf %sqrt3A_175, %add3A_177 : vector<1x256xf32>
      %broadcast_in_dim3A_179 = vector.shape_cast %slice3A_100 : vector<64x256xf32> to vector<1x64x256xf32>
      %mul3A_180 = vector.broadcast %broadcast_in_dim3A_179 : vector<1x64x256xf32> to vector<64x64x256xf32>
      %mul3A_181 = arith.mulf %add3A_166, %mul3A_180 : vector<64x64x256xf32>
      %reduce_sum3A_182 = arith.constant dense<0.000000e+00> : vector<64x256xf32>
      %reduce_sum3A_183 = vector.multi_reduction <add>, %mul3A_181, %reduce_sum3A_182 [1] : vector<64x64x256xf32> to vector<64x256xf32>
      %add3A_184 = arith.constant 9.99999997E-7 : f32
      %add3A_185 = vector.broadcast %add3A_184 : f32 to vector<64x256xf32>
      %add3A_186 = arith.addf %sqrt3A_170, %add3A_185 : vector<64x256xf32>
      %mul3A_187 = vector.broadcast %add3A_178 : vector<1x256xf32> to vector<64x256xf32>
      %mul3A_188 = arith.mulf %add3A_186, %mul3A_187 : vector<64x256xf32>
      %div3A_189 = arith.divf %reduce_sum3A_183, %mul3A_188 : vector<64x256xf32>
      %mul3A_190 = vector.broadcast %select_n3A_128 : vector<1x256xf32> to vector<64x256xf32>
      %mul3A_191 = arith.mulf %div3A_189, %mul3A_190 : vector<64x256xf32>
      %reduce_max3A_192 = arith.constant dense<0xFF800000> : vector<256xf32>
      %reduce_max3A_193 = vector.multi_reduction <maximumf>, %mul3A_191, %reduce_max3A_192 [0] : vector<64x256xf32> to vector<256xf32>
      %broadcast_in_dim3A_194 = vector.shape_cast %reduce_max3A_193 : vector<256xf32> to vector<1x256xf32>
      %sub3A_195 = vector.broadcast %broadcast_in_dim3A_194 : vector<1x256xf32> to vector<64x256xf32>
      %sub3A_196 = arith.subf %mul3A_191, %sub3A_195 : vector<64x256xf32>
      %exp3A_197 = math.exp %sub3A_196 : vector<64x256xf32>
      %reduce_sum3A_198 = arith.constant dense<0.000000e+00> : vector<256xf32>
      %reduce_sum3A_199 = vector.multi_reduction <add>, %exp3A_197, %reduce_sum3A_198 [0] : vector<64x256xf32> to vector<256xf32>
      %broadcast_in_dim3A_200 = vector.shape_cast %reduce_sum3A_199 : vector<256xf32> to vector<1x256xf32>
      %div3A_201 = vector.broadcast %broadcast_in_dim3A_200 : vector<1x256xf32> to vector<64x256xf32>
      %div3A_202 = arith.divf %exp3A_197, %div3A_201 : vector<64x256xf32>
      %broadcast_in_dim3A_203 = vector.shape_cast %div3A_202 : vector<64x256xf32> to vector<64x1x256xf32>
      %mul3A_204 = vector.broadcast %broadcast_in_dim3A_203 : vector<64x1x256xf32> to vector<64x64x256xf32>
      %mul3A_205 = arith.mulf %mul3A_204, %add3A_166 : vector<64x64x256xf32>
      %reduce_sum3A_206 = arith.constant dense<0.000000e+00> : vector<64x256xf32>
      %reduce_sum3A_207 = vector.multi_reduction <add>, %mul3A_205, %reduce_sum3A_206 [0] : vector<64x64x256xf32> to vector<64x256xf32>
      %transpose3A_208 = tpu.transpose %reduce_sum3A_207, [1, 0] : vector<64x256xf32> -> vector<256x64xf32>
      %swap3A_209 = arith.index_cast %scan3A_43 : i32 to index
      %swap3A_210 = arith.constant 0 : index
      %swap3A_211 = arith.constant 0 : index
      %swap3A_212 = vector.load %arg7[%swap3A_209, %swap3A_210, %swap3A_211] : memref<50x64x256xf32, #tpu.memory_space<vmem>>, vector<1x64x256xf32>
      %swap3A_213 = vector.shape_cast %swap3A_212 : vector<1x64x256xf32> to vector<64x256xf32>
      %swap3A_214 = vector.shape_cast %div3A_202 : vector<64x256xf32> to vector<1x64x256xf32>
      tpu.vector_store %arg7[%swap3A_209, %swap3A_210, %swap3A_211], %swap3A_214 {strides = array<i32>} : memref<50x64x256xf32, #tpu.memory_space<vmem>>, vector<1x64x256xf32>,
      %swap3A_215 = arith.index_cast %scan3A_43 : i32 to index
      %swap3A_216 = arith.constant 0 : index
      %swap3A_217 = arith.constant 0 : index
      %swap3A_218 = vector.load %arg8[%swap3A_215, %swap3A_216, %swap3A_217] : memref<50x64x256xf32, #tpu.memory_space<vmem>>, vector<1x64x256xf32>
      %swap3A_219 = vector.shape_cast %swap3A_218 : vector<1x64x256xf32> to vector<64x256xf32>
      %swap3A_220 = vector.shape_cast %div3A_156 : vector<64x256xf32> to vector<1x64x256xf32>
      tpu.vector_store %arg8[%swap3A_215, %swap3A_216, %swap3A_217], %swap3A_220 {strides = array<i32>} : memref<50x64x256xf32, #tpu.memory_space<vmem>>, vector<1x64x256xf32>,
      scf.yield %min3A_85, %add3A_74, %add3A_166, %transpose3A_208, %sqrt3A_170 : vector<256x128xf32>, vector<256x128xf32>, vector<64x64x256xf32>, vector<256x64xf32>, vector<64x256xf32>
    }
    %scan3A_27 = arith.constant 50 : i32
    %swap3A = arith.constant 0 : index
    %swap3A_28 = arith.constant 0 : index
    %swap3A_29 = vector.load %arg9[%swap3A, %swap3A_28] : memref<256x128xf32, #tpu.memory_space<vmem>>, vector<256x128xf32>
    tpu.vector_store %arg9[%swap3A, %swap3A_28], %scan3A_26#0 {strides = array<i32>} : memref<256x128xf32, #tpu.memory_space<vmem>>, vector<256x128xf32>,
    %swap3A_30 = arith.constant 0 : index
    %swap3A_31 = arith.constant 0 : index
    %swap3A_32 = vector.load %arg10[%swap3A_30, %swap3A_31] : memref<256x128xf32, #tpu.memory_space<vmem>>, vector<256x128xf32>
    tpu.vector_store %arg10[%swap3A_30, %swap3A_31], %scan3A_26#1 {strides = array<i32>} : memref<256x128xf32, #tpu.memory_space<vmem>>, vector<256x128xf32>,
    %swap3A_33 = arith.constant 0 : index
    %swap3A_34 = arith.constant 0 : index
    %swap3A_35 = arith.constant 0 : index
    %swap3A_36 = vector.load %arg11[%swap3A_33, %swap3A_34, %swap3A_35] : memref<64x64x256xf32, #tpu.memory_space<vmem>>, vector<64x64x256xf32>
    tpu.vector_store %arg11[%swap3A_33, %swap3A_34, %swap3A_35], %scan3A_26#2 {strides = array<i32>} : memref<64x64x256xf32, #tpu.memory_space<vmem>>, vector<64x64x256xf32>,
    %swap3A_37 = arith.constant 0 : index
    %swap3A_38 = arith.constant 0 : index
    %swap3A_39 = vector.load %arg12[%swap3A_37, %swap3A_38] : memref<256x64xf32, #tpu.memory_space<vmem>>, vector<256x64xf32>
    tpu.vector_store %arg12[%swap3A_37, %swap3A_38], %scan3A_26#3 {strides = array<i32>} : memref<256x64xf32, #tpu.memory_space<vmem>>, vector<256x64xf32>,
    %swap3A_40 = arith.constant 0 : index
    %swap3A_41 = arith.constant 0 : index
    %swap3A_42 = vector.load %arg13[%swap3A_40, %swap3A_41] : memref<64x256xf32, #tpu.memory_space<vmem>>, vector<64x256xf32>
    tpu.vector_store %arg13[%swap3A_40, %swap3A_41], %scan3A_26#4 {strides = array<i32>} : memref<64x256xf32, #tpu.memory_space<vmem>>, vector<64x256xf32>,
    return
  }
  func.func @transform_0(%arg0: i32) -> (i32, i32, i32) {
    %c0_i32 = arith.constant 0 : i32
    %c0_i32_0 = arith.constant 0 : i32
    %c0_i32_1 = arith.constant 0 : i32
    return %c0_i32, %arg0, %c0_i32_0 : i32, i32, i32
  }
  func.func @transform_1(%arg0: i32) -> (i32, i32) {
    %c0_i32 = arith.constant 0 : i32
    %c0_i32_0 = arith.constant 0 : i32
    %c0_i32_1 = arith.constant 0 : i32
    return %c0_i32, %c0_i32_0 : i32, i32
  }
  func.func @transform_2(%arg0: i32) -> (i32, i32) {
    %c0_i32 = arith.constant 0 : i32
    %c0_i32_0 = arith.constant 0 : i32
    %c0_i32_1 = arith.constant 0 : i32
    return %c0_i32, %c0_i32_0 : i32, i32
  }
  func.func @transform_3(%arg0: i32) -> (i32, i32) {
    %c0_i32 = arith.constant 0 : i32
    %c0_i32_0 = arith.constant 0 : i32
    %c0_i32_1 = arith.constant 0 : i32
    return %c0_i32, %c0_i32_0 : i32, i32
  }
  func.func @transform_4(%arg0: i32) -> (i32, i32) {
    %c0_i32 = arith.constant 0 : i32
    %c0_i32_0 = arith.constant 0 : i32
    %c0_i32_1 = arith.constant 0 : i32
    return %c0_i32, %c0_i32_0 : i32, i32
  }
  func.func @transform_5(%arg0: i32) -> (i32, i32) {
    %c0_i32 = arith.constant 0 : i32
    %c0_i32_0 = arith.constant 0 : i32
    %c0_i32_1 = arith.constant 0 : i32
    return %c0_i32, %c0_i32_0 : i32, i32
  }
  func.func @transform_6(%arg0: i32) -> (i32, i32, i32) {
    %c0_i32 = arith.constant 0 : i32
    %c0_i32_0 = arith.constant 0 : i32
    %c0_i32_1 = arith.constant 0 : i32
    return %c0_i32, %c0_i32_0, %arg0 : i32, i32, i32
  }
  func.func @transform_7(%arg0: i32) -> (i32, i32, i32) {
    %c0_i32 = arith.constant 0 : i32
    %c0_i32_0 = arith.constant 0 : i32
    %c0_i32_1 = arith.constant 0 : i32
    return %c0_i32, %c0_i32_0, %arg0 : i32, i32, i32
  }
  func.func @transform_8(%arg0: i32) -> (i32, i32) {
    %c0_i32 = arith.constant 0 : i32
    %c0_i32_0 = arith.constant 0 : i32
    return %arg0, %c0_i32 : i32, i32
  }
  func.func @transform_9(%arg0: i32) -> (i32, i32) {
    %c0_i32 = arith.constant 0 : i32
    %c0_i32_0 = arith.constant 0 : i32
    return %arg0, %c0_i32 : i32, i32
  }
  func.func @transform_10(%arg0: i32) -> (i32, i32, i32) {
    %c0_i32 = arith.constant 0 : i32
    %c0_i32_0 = arith.constant 0 : i32
    %c0_i32_1 = arith.constant 0 : i32
    return %c0_i32, %c0_i32_0, %arg0 : i32, i32, i32
  }
  func.func @transform_11(%arg0: i32) -> (i32, i32) {
    %c0_i32 = arith.constant 0 : i32
    %c0_i32_0 = arith.constant 0 : i32
    return %arg0, %c0_i32 : i32, i32
  }
  func.func @transform_12(%arg0: i32) -> (i32, i32) {
    %c0_i32 = arith.constant 0 : i32
    %c0_i32_0 = arith.constant 0 : i32
    return %c0_i32, %arg0 : i32, i32
  }
}

module attributes {stable_mosaic.version = 14 : i64} {
  func.func @_opt_body(%arg0: i32, %arg1: memref<20x256x64xf32, #tpu.memory_space<vmem>>, %arg2: memref<128x512xf32, #tpu.memory_space<vmem>>, %arg3: memref<128x512xf32, #tpu.memory_space<vmem>>, %arg4: memref<1x512xf32, #tpu.memory_space<vmem>>, %arg5: memref<128x320xf32, #tpu.memory_space<vmem>>, %arg6: memref<1x320xf32, #tpu.memory_space<vmem>>, %arg7: memref<192x64xf32, #tpu.memory_space<vmem>>, %arg8: memref<1x64xf32, #tpu.memory_space<vmem>>, %arg9: memref<2x128xf32, #tpu.memory_space<vmem>>, %arg10: memref<1x2xf32, #tpu.memory_space<vmem>>, %arg11: memref<256x128xf32, #tpu.memory_space<vmem>>, %arg12: memref<256x128xf32, #tpu.memory_space<vmem>>, %arg13: memref<64x64x256xf32, #tpu.memory_space<vmem>>, %arg14: memref<256x64xf32, #tpu.memory_space<vmem>>, %arg15: memref<64x256xf32, #tpu.memory_space<vmem>>, %arg16: memref<256x2xf32, #tpu.memory_space<vmem>>, %arg17: memref<21x64x256xf32, #tpu.memory_space<vmem>>, %arg18: memref<21x64x256xf32, #tpu.memory_space<vmem>>, %arg19: memref<256x64xf32, #tpu.memory_space<vmem>>) attributes {dimension_semantics = [#tpu.dimension_semantics<arbitrary>], iteration_bounds = array<i64: 2>, scalar_prefetch = 0 : i64, scratch_operands = 1 : i64, tpu.core_type = #tpu.core_type<tc>, window_params = [{transform_indices = @transform_0, window_bounds = array<i64: 20, 256, 64>}, {pipeline_mode = #tpu.pipeline_mode<synchronous>, transform_indices = @transform_1, window_bounds = array<i64: 128, 512>}, {pipeline_mode = #tpu.pipeline_mode<synchronous>, transform_indices = @transform_2, window_bounds = array<i64: 128, 512>}, {pipeline_mode = #tpu.pipeline_mode<synchronous>, transform_indices = @transform_3, window_bounds = array<i64: 1, 512>}, {pipeline_mode = #tpu.pipeline_mode<synchronous>, transform_indices = @transform_4, window_bounds = array<i64: 128, 320>}, {pipeline_mode = #tpu.pipeline_mode<synchronous>, transform_indices = @transform_5, window_bounds = array<i64: 1, 320>}, {pipeline_mode = #tpu.pipeline_mode<synchronous>, transform_indices = @transform_6, window_bounds = array<i64: 192, 64>}, {pipeline_mode = #tpu.pipeline_mode<synchronous>, transform_indices = @transform_7, window_bounds = array<i64: 1, 64>}, {pipeline_mode = #tpu.pipeline_mode<synchronous>, transform_indices = @transform_8, window_bounds = array<i64: 2, 128>}, {pipeline_mode = #tpu.pipeline_mode<synchronous>, transform_indices = @transform_9, window_bounds = array<i64: 1, 2>}, {pipeline_mode = #tpu.pipeline_mode<synchronous>, transform_indices = @transform_10, window_bounds = array<i64: 256, 128>}, {pipeline_mode = #tpu.pipeline_mode<synchronous>, transform_indices = @transform_11, window_bounds = array<i64: 256, 128>}, {pipeline_mode = #tpu.pipeline_mode<synchronous>, transform_indices = @transform_12, window_bounds = array<i64: 64, 64, 256>}, {pipeline_mode = #tpu.pipeline_mode<synchronous>, transform_indices = @transform_13, window_bounds = array<i64: 256, 64>}, {pipeline_mode = #tpu.pipeline_mode<synchronous>, transform_indices = @transform_14, window_bounds = array<i64: 64, 256>}, {pipeline_mode = #tpu.pipeline_mode<synchronous>, transform_indices = @transform_15, window_bounds = array<i64: 256, 2>}, {transform_indices = @transform_16, window_bounds = array<i64: 21, 64, 256>}, {transform_indices = @transform_17, window_bounds = array<i64: 21, 64, 256>}]} {
    %get3A = arith.constant 0 : index
    %get3A_0 = arith.constant 0 : index
    %get3A_1 = vector.load %arg2[%get3A, %get3A_0] : memref<128x512xf32, #tpu.memory_space<vmem>>, vector<128x512xf32>
    %get3A_2 = arith.constant 0 : index
    %get3A_3 = arith.constant 0 : index
    %get3A_4 = vector.load %arg3[%get3A_2, %get3A_3] : memref<128x512xf32, #tpu.memory_space<vmem>>, vector<128x512xf32>
    %get3A_5 = arith.constant 0 : index
    %get3A_6 = arith.constant 0 : index
    %get3A_7 = vector.load %arg5[%get3A_5, %get3A_6] : memref<128x320xf32, #tpu.memory_space<vmem>>, vector<128x320xf32>
    %get3A_8 = arith.constant 0 : index
    %get3A_9 = arith.constant 0 : index
    %get3A_10 = vector.load %arg6[%get3A_8, %get3A_9] : memref<1x320xf32, #tpu.memory_space<vmem>>, vector<1x320xf32>
    %get3A_11 = arith.constant 0 : index
    %get3A_12 = arith.constant 0 : index
    %get3A_13 = vector.load %arg4[%get3A_11, %get3A_12] : memref<1x512xf32, #tpu.memory_space<vmem>>, vector<1x512xf32>
    %get3A_14 = arith.constant 0 : index
    %get3A_15 = arith.constant 0 : index
    %get3A_16 = vector.load %arg11[%get3A_14, %get3A_15] : memref<256x128xf32, #tpu.memory_space<vmem>>, vector<256x128xf32>
    %get3A_17 = arith.constant 0 : index
    %get3A_18 = arith.constant 0 : index
    %get3A_19 = vector.load %arg12[%get3A_17, %get3A_18] : memref<256x128xf32, #tpu.memory_space<vmem>>, vector<256x128xf32>
    %get3A_20 = arith.constant 0 : index
    %get3A_21 = arith.constant 0 : index
    %get3A_22 = arith.constant 0 : index
    %get3A_23 = vector.load %arg13[%get3A_20, %get3A_21, %get3A_22] : memref<64x64x256xf32, #tpu.memory_space<vmem>>, vector<64x64x256xf32>
    %get3A_24 = arith.constant 0 : index
    %get3A_25 = arith.constant 0 : index
    %get3A_26 = vector.load %arg14[%get3A_24, %get3A_25] : memref<256x64xf32, #tpu.memory_space<vmem>>, vector<256x64xf32>
    %get3A_27 = arith.constant 0 : index
    %get3A_28 = arith.constant 0 : index
    %get3A_29 = vector.load %arg15[%get3A_27, %get3A_28] : memref<64x256xf32, #tpu.memory_space<vmem>>, vector<64x256xf32>
    %scan3A = arith.constant 0 : i32
    %scan3A_30 = arith.constant 20 : i32
    %scan3A_31 = arith.addi %scan3A, %scan3A_30 : i32
    %scan3A_32 = arith.constant 1 : i32
    %scan3A_33:5 = scf.for %scan3A_254 = %scan3A to %scan3A_31 step %scan3A_32 iter_args(%scan3A_255 = %get3A_16, %scan3A_256 = %get3A_19, %scan3A_257 = %get3A_23, %scan3A_258 = %get3A_26, %scan3A_259 = %get3A_29) -> (vector<256x128xf32>, vector<256x128xf32>, vector<64x64x256xf32>, vector<256x64xf32>, vector<64x256xf32>)  : i32 {
      %get3A_260 = arith.index_cast %scan3A_254 : i32 to index
      %get3A_261 = arith.constant 0 : index
      %get3A_262 = arith.constant 0 : index
      %get3A_263 = vector.load %arg1[%get3A_260, %get3A_261, %get3A_262] : memref<20x256x64xf32, #tpu.memory_space<vmem>>, vector<1x256x64xf32>
      %get3A_264 = vector.shape_cast %get3A_263 : vector<1x256x64xf32> to vector<256x64xf32>
      %concatenate3A_265 = tpu.concatenate %get3A_264, %scan3A_258 in 1 : vector<256x64xf32>, vector<256x64xf32> -> vector<256x128xf32>
      %dot_general3A_266 = arith.constant dense<0.000000e+00> : vector<256x512xf32>
      %dot_general3A_267 = tpu.matmul %concatenate3A_265, %get3A_1, %dot_general3A_266 {dimension_numbers = #tpu.dot_dimension_numbers<[1], [0], [0], [1], [0, 0, 1, 1], [], []>, precision = #tpu.contract_precision<fp32>, transpose_lhs_hint = false} : vector<256x128xf32>, vector<128x512xf32>, vector<256x512xf32> -> vector<256x512xf32>
      %dot_general3A_268 = arith.constant dense<0.000000e+00> : vector<256x512xf32>
      %dot_general3A_269 = tpu.matmul %scan3A_255, %get3A_4, %dot_general3A_268 {dimension_numbers = #tpu.dot_dimension_numbers<[1], [0], [0], [1], [0, 0, 1, 1], [], []>, precision = #tpu.contract_precision<fp32>, transpose_lhs_hint = false} : vector<256x128xf32>, vector<128x512xf32>, vector<256x512xf32> -> vector<256x512xf32>
      %add3A_270 = arith.addf %dot_general3A_267, %dot_general3A_269 : vector<256x512xf32>
      %add3A_271 = vector.broadcast %get3A_13 : vector<1x512xf32> to vector<256x512xf32>
      %add3A_272 = arith.addf %add3A_270, %add3A_271 : vector<256x512xf32>
      %slice3A_273 = vector.extract_strided_slice %add3A_272 {offsets = [0, 0], sizes = [256, 128], strides = [1, 1]} : vector<256x512xf32> to vector<256x128xf32>
      %slice3A_274 = vector.extract_strided_slice %add3A_272 {offsets = [0, 128], sizes = [256, 128], strides = [1, 1]} : vector<256x512xf32> to vector<256x128xf32>
      %slice3A_275 = vector.extract_strided_slice %add3A_272 {offsets = [0, 256], sizes = [256, 128], strides = [1, 1]} : vector<256x512xf32> to vector<256x128xf32>
      %slice3A_276 = vector.extract_strided_slice %add3A_272 {offsets = [0, 384], sizes = [256, 128], strides = [1, 1]} : vector<256x512xf32> to vector<256x128xf32>
      %logistic3A_277 = arith.negf %slice3A_274 : vector<256x128xf32>
      %logistic3A_278 = math.exp %logistic3A_277 : vector<256x128xf32>
      %logistic3A_279 = arith.constant 1.000000e+00 : f32
      %logistic3A_280 = vector.broadcast %logistic3A_279 : f32 to vector<256x128xf32>
      %logistic3A_281 = arith.addf %logistic3A_280, %logistic3A_278 : vector<256x128xf32>
      %logistic3A_282 = arith.divf %logistic3A_280, %logistic3A_281 : vector<256x128xf32>
      %mul3A_283 = arith.mulf %logistic3A_282, %scan3A_256 : vector<256x128xf32>
      %logistic3A_284 = arith.negf %slice3A_273 : vector<256x128xf32>
      %logistic3A_285 = math.exp %logistic3A_284 : vector<256x128xf32>
      %logistic3A_286 = arith.constant 1.000000e+00 : f32
      %logistic3A_287 = vector.broadcast %logistic3A_286 : f32 to vector<256x128xf32>
      %logistic3A_288 = arith.addf %logistic3A_287, %logistic3A_285 : vector<256x128xf32>
      %logistic3A_289 = arith.divf %logistic3A_287, %logistic3A_288 : vector<256x128xf32>
      %tanh3A_290 = math.tanh %slice3A_275 : vector<256x128xf32>
      %mul3A_291 = arith.mulf %logistic3A_289, %tanh3A_290 : vector<256x128xf32>
      %add3A_292 = arith.addf %mul3A_283, %mul3A_291 : vector<256x128xf32>
      %logistic3A_293 = arith.negf %slice3A_276 : vector<256x128xf32>
      %logistic3A_294 = math.exp %logistic3A_293 : vector<256x128xf32>
      %logistic3A_295 = arith.constant 1.000000e+00 : f32
      %logistic3A_296 = vector.broadcast %logistic3A_295 : f32 to vector<256x128xf32>
      %logistic3A_297 = arith.addf %logistic3A_296, %logistic3A_294 : vector<256x128xf32>
      %logistic3A_298 = arith.divf %logistic3A_296, %logistic3A_297 : vector<256x128xf32>
      %tanh3A_299 = math.tanh %add3A_292 : vector<256x128xf32>
      %mul3A_300 = arith.mulf %logistic3A_298, %tanh3A_299 : vector<256x128xf32>
      %jit3A_301 = arith.constant -2.000000e+01 : f32
      %jit3A_302 = arith.constant 2.000000e+01 : f32
      %max3A_303 = vector.broadcast %jit3A_301 : f32 to vector<256x128xf32>
      %max3A_304 = arith.maximumf %max3A_303, %mul3A_300 : vector<256x128xf32>
      %min3A_305 = vector.broadcast %jit3A_302 : f32 to vector<256x128xf32>
      %min3A_306 = arith.minimumf %min3A_305, %max3A_304 : vector<256x128xf32>
      %dot_general3A_307 = arith.constant dense<0.000000e+00> : vector<256x320xf32>
      %dot_general3A_308 = tpu.matmul %min3A_306, %get3A_7, %dot_general3A_307 {dimension_numbers = #tpu.dot_dimension_numbers<[1], [0], [0], [1], [0, 0, 1, 1], [], []>, precision = #tpu.contract_precision<fp32>, transpose_lhs_hint = false} : vector<256x128xf32>, vector<128x320xf32>, vector<256x320xf32> -> vector<256x320xf32>
      %add3A_309 = vector.broadcast %get3A_10 : vector<1x320xf32> to vector<256x320xf32>
      %add3A_310 = arith.addf %dot_general3A_308, %add3A_309 : vector<256x320xf32>
      %slice3A_311 = vector.extract_strided_slice %add3A_310 {offsets = [0, 0], sizes = [256, 256], strides = [1, 1]} : vector<256x320xf32> to vector<256x256xf32>
      %transpose3A_312 = tpu.transpose %slice3A_311, [1, 0] : vector<256x256xf32> -> vector<256x256xf32>
      %slice3A_313 = vector.extract_strided_slice %transpose3A_312 {offsets = [0, 0], sizes = [64, 256], strides = [1, 1]} : vector<256x256xf32> to vector<64x256xf32>
      %slice3A_314 = vector.extract_strided_slice %transpose3A_312 {offsets = [64, 0], sizes = [64, 256], strides = [1, 1]} : vector<256x256xf32> to vector<64x256xf32>
      %logistic3A_315 = arith.negf %slice3A_314 : vector<64x256xf32>
      %logistic3A_316 = math.exp %logistic3A_315 : vector<64x256xf32>
      %logistic3A_317 = arith.constant 1.000000e+00 : f32
      %logistic3A_318 = vector.broadcast %logistic3A_317 : f32 to vector<64x256xf32>
      %logistic3A_319 = arith.addf %logistic3A_318, %logistic3A_316 : vector<64x256xf32>
      %logistic3A_320 = arith.divf %logistic3A_318, %logistic3A_319 : vector<64x256xf32>
      %slice3A_321 = vector.extract_strided_slice %transpose3A_312 {offsets = [128, 0], sizes = [64, 256], strides = [1, 1]} : vector<256x256xf32> to vector<64x256xf32>
      %slice3A_322 = vector.extract_strided_slice %transpose3A_312 {offsets = [192, 0], sizes = [64, 256], strides = [1, 1]} : vector<256x256xf32> to vector<64x256xf32>
      %slice3A_323 = vector.extract_strided_slice %add3A_310 {offsets = [0, 256], sizes = [256, 2], strides = [1, 1]} : vector<256x320xf32> to vector<256x2xf32>
      %transpose3A_324 = tpu.transpose %slice3A_323, [1, 0] : vector<256x2xf32> -> vector<2x256xf32>
      %slice3A_325 = vector.extract_strided_slice %transpose3A_324 {offsets = [0, 0], sizes = [1, 256], strides = [1, 1]} : vector<2x256xf32> to vector<1x256xf32>
      %custom_jvp_call3A_326 = arith.constant 0.000000e+00 : f32
      %max3A_327 = vector.broadcast %custom_jvp_call3A_326 : f32 to vector<1x256xf32>
      %max3A_328 = arith.maximumf %slice3A_325, %max3A_327 : vector<1x256xf32>
      %sub3A_329 = vector.broadcast %custom_jvp_call3A_326 : f32 to vector<1x256xf32>
      %sub3A_330 = arith.subf %slice3A_325, %sub3A_329 : vector<1x256xf32>
      %ne3A_331 = arith.cmpf one, %sub3A_330, %sub3A_330 : vector<1x256xf32>
      %add3A_332 = vector.broadcast %custom_jvp_call3A_326 : f32 to vector<1x256xf32>
      %add3A_333 = arith.addf %slice3A_325, %add3A_332 : vector<1x256xf32>
      %abs3A_334 = math.absf %sub3A_330 : vector<1x256xf32>
      %neg3A_335 = arith.constant 0.000000e+00 : f32
      %neg3A_336 = vector.broadcast %neg3A_335 : f32 to vector<1x256xf32>
      %neg3A_337 = arith.subf %neg3A_336, %abs3A_334 : vector<1x256xf32>
      %exp3A_338 = math.exp %neg3A_337 : vector<1x256xf32>
      %log1p3A_339 = math.log1p %exp3A_338 : vector<1x256xf32>
      %add3A_340 = arith.addf %max3A_328, %log1p3A_339 : vector<1x256xf32>
      %select_n3A_341 = arith.select %ne3A_331, %add3A_333, %add3A_340 : vector<1x256xi1>, vector<1x256xf32>
      %slice3A_342 = vector.extract_strided_slice %transpose3A_324 {offsets = [1, 0], sizes = [1, 256], strides = [1, 1]} : vector<2x256xf32> to vector<1x256xf32>
      %custom_jvp_call3A_343 = arith.constant 0.000000e+00 : f32
      %max3A_344 = vector.broadcast %custom_jvp_call3A_343 : f32 to vector<1x256xf32>
      %max3A_345 = arith.maximumf %slice3A_342, %max3A_344 : vector<1x256xf32>
      %sub3A_346 = vector.broadcast %custom_jvp_call3A_343 : f32 to vector<1x256xf32>
      %sub3A_347 = arith.subf %slice3A_342, %sub3A_346 : vector<1x256xf32>
      %ne3A_348 = arith.cmpf one, %sub3A_347, %sub3A_347 : vector<1x256xf32>
      %add3A_349 = vector.broadcast %custom_jvp_call3A_343 : f32 to vector<1x256xf32>
      %add3A_350 = arith.addf %slice3A_342, %add3A_349 : vector<1x256xf32>
      %abs3A_351 = math.absf %sub3A_347 : vector<1x256xf32>
      %neg3A_352 = arith.constant 0.000000e+00 : f32
      %neg3A_353 = vector.broadcast %neg3A_352 : f32 to vector<1x256xf32>
      %neg3A_354 = arith.subf %neg3A_353, %abs3A_351 : vector<1x256xf32>
      %exp3A_355 = math.exp %neg3A_354 : vector<1x256xf32>
      %log1p3A_356 = math.log1p %exp3A_355 : vector<1x256xf32>
      %add3A_357 = arith.addf %max3A_345, %log1p3A_356 : vector<1x256xf32>
      %select_n3A_358 = arith.select %ne3A_348, %add3A_350, %add3A_357 : vector<1x256xi1>, vector<1x256xf32>
      %mul3A_359 = arith.mulf %slice3A_313, %slice3A_313 : vector<64x256xf32>
      %reduce_sum3A_360 = arith.constant dense<0.000000e+00> : vector<256xf32>
      %reduce_sum3A_361 = vector.multi_reduction <add>, %mul3A_359, %reduce_sum3A_360 [0] : vector<64x256xf32> to vector<256xf32>
      %broadcast_in_dim3A_362 = vector.shape_cast %reduce_sum3A_361 : vector<256xf32> to vector<1x256xf32>
      %sqrt3A_363 = math.sqrt %broadcast_in_dim3A_362 : vector<1x256xf32>
      %add3A_364 = arith.constant 9.99999997E-7 : f32
      %add3A_365 = vector.broadcast %add3A_364 : f32 to vector<1x256xf32>
      %add3A_366 = arith.addf %sqrt3A_363, %add3A_365 : vector<1x256xf32>
      %broadcast_in_dim3A_367 = vector.shape_cast %slice3A_313 : vector<64x256xf32> to vector<1x64x256xf32>
      %mul3A_368 = vector.broadcast %broadcast_in_dim3A_367 : vector<1x64x256xf32> to vector<64x64x256xf32>
      %mul3A_369 = arith.mulf %scan3A_257, %mul3A_368 : vector<64x64x256xf32>
      %reduce_sum3A_370 = arith.constant dense<0.000000e+00> : vector<64x256xf32>
      %reduce_sum3A_371 = vector.multi_reduction <add>, %mul3A_369, %reduce_sum3A_370 [1] : vector<64x64x256xf32> to vector<64x256xf32>
      %add3A_372 = arith.constant 9.99999997E-7 : f32
      %add3A_373 = vector.broadcast %add3A_372 : f32 to vector<64x256xf32>
      %add3A_374 = arith.addf %scan3A_259, %add3A_373 : vector<64x256xf32>
      %mul3A_375 = vector.broadcast %add3A_366 : vector<1x256xf32> to vector<64x256xf32>
      %mul3A_376 = arith.mulf %add3A_374, %mul3A_375 : vector<64x256xf32>
      %div3A_377 = arith.divf %reduce_sum3A_371, %mul3A_376 : vector<64x256xf32>
      %mul3A_378 = vector.broadcast %select_n3A_341 : vector<1x256xf32> to vector<64x256xf32>
      %mul3A_379 = arith.mulf %div3A_377, %mul3A_378 : vector<64x256xf32>
      %reduce_max3A_380 = arith.constant dense<0xFF800000> : vector<256xf32>
      %reduce_max3A_381 = vector.multi_reduction <maximumf>, %mul3A_379, %reduce_max3A_380 [0] : vector<64x256xf32> to vector<256xf32>
      %broadcast_in_dim3A_382 = vector.shape_cast %reduce_max3A_381 : vector<256xf32> to vector<1x256xf32>
      %sub3A_383 = vector.broadcast %broadcast_in_dim3A_382 : vector<1x256xf32> to vector<64x256xf32>
      %sub3A_384 = arith.subf %mul3A_379, %sub3A_383 : vector<64x256xf32>
      %exp3A_385 = math.exp %sub3A_384 : vector<64x256xf32>
      %reduce_sum3A_386 = arith.constant dense<0.000000e+00> : vector<256xf32>
      %reduce_sum3A_387 = vector.multi_reduction <add>, %exp3A_385, %reduce_sum3A_386 [0] : vector<64x256xf32> to vector<256xf32>
      %broadcast_in_dim3A_388 = vector.shape_cast %reduce_sum3A_387 : vector<256xf32> to vector<1x256xf32>
      %div3A_389 = vector.broadcast %broadcast_in_dim3A_388 : vector<1x256xf32> to vector<64x256xf32>
      %div3A_390 = arith.divf %exp3A_385, %div3A_389 : vector<64x256xf32>
      %broadcast_in_dim3A_391 = vector.shape_cast %div3A_390 : vector<64x256xf32> to vector<64x1x256xf32>
      %broadcast_in_dim3A_392 = vector.shape_cast %slice3A_321 : vector<64x256xf32> to vector<1x64x256xf32>
      %broadcast_in_dim3A_393 = vector.shape_cast %logistic3A_320 : vector<64x256xf32> to vector<1x64x256xf32>
      %mul3A_394 = vector.broadcast %broadcast_in_dim3A_393 : vector<1x64x256xf32> to vector<64x64x256xf32>
      %mul3A_395 = arith.mulf %scan3A_257, %mul3A_394 : vector<64x64x256xf32>
      %sub3A_396 = vector.broadcast %broadcast_in_dim3A_392 : vector<1x64x256xf32> to vector<64x64x256xf32>
      %sub3A_397 = arith.subf %sub3A_396, %mul3A_395 : vector<64x64x256xf32>
      %mul3A_398 = vector.broadcast %broadcast_in_dim3A_391 : vector<64x1x256xf32> to vector<64x64x256xf32>
      %mul3A_399 = arith.mulf %mul3A_398, %sub3A_397 : vector<64x64x256xf32>
      %add3A_400 = arith.addf %scan3A_257, %mul3A_399 : vector<64x64x256xf32>
      %mul3A_401 = arith.mulf %add3A_400, %add3A_400 : vector<64x64x256xf32>
      %reduce_sum3A_402 = arith.constant dense<0.000000e+00> : vector<64x256xf32>
      %reduce_sum3A_403 = vector.multi_reduction <add>, %mul3A_401, %reduce_sum3A_402 [1] : vector<64x64x256xf32> to vector<64x256xf32>
      %sqrt3A_404 = math.sqrt %reduce_sum3A_403 : vector<64x256xf32>
      %mul3A_405 = arith.mulf %slice3A_322, %slice3A_322 : vector<64x256xf32>
      %reduce_sum3A_406 = arith.constant dense<0.000000e+00> : vector<256xf32>
      %reduce_sum3A_407 = vector.multi_reduction <add>, %mul3A_405, %reduce_sum3A_406 [0] : vector<64x256xf32> to vector<256xf32>
      %broadcast_in_dim3A_408 = vector.shape_cast %reduce_sum3A_407 : vector<256xf32> to vector<1x256xf32>
      %sqrt3A_409 = math.sqrt %broadcast_in_dim3A_408 : vector<1x256xf32>
      %add3A_410 = arith.constant 9.99999997E-7 : f32
      %add3A_411 = vector.broadcast %add3A_410 : f32 to vector<1x256xf32>
      %add3A_412 = arith.addf %sqrt3A_409, %add3A_411 : vector<1x256xf32>
      %broadcast_in_dim3A_413 = vector.shape_cast %slice3A_322 : vector<64x256xf32> to vector<1x64x256xf32>
      %mul3A_414 = vector.broadcast %broadcast_in_dim3A_413 : vector<1x64x256xf32> to vector<64x64x256xf32>
      %mul3A_415 = arith.mulf %add3A_400, %mul3A_414 : vector<64x64x256xf32>
      %reduce_sum3A_416 = arith.constant dense<0.000000e+00> : vector<64x256xf32>
      %reduce_sum3A_417 = vector.multi_reduction <add>, %mul3A_415, %reduce_sum3A_416 [1] : vector<64x64x256xf32> to vector<64x256xf32>
      %add3A_418 = arith.constant 9.99999997E-7 : f32
      %add3A_419 = vector.broadcast %add3A_418 : f32 to vector<64x256xf32>
      %add3A_420 = arith.addf %sqrt3A_404, %add3A_419 : vector<64x256xf32>
      %mul3A_421 = vector.broadcast %add3A_412 : vector<1x256xf32> to vector<64x256xf32>
      %mul3A_422 = arith.mulf %add3A_420, %mul3A_421 : vector<64x256xf32>
      %div3A_423 = arith.divf %reduce_sum3A_417, %mul3A_422 : vector<64x256xf32>
      %mul3A_424 = vector.broadcast %select_n3A_358 : vector<1x256xf32> to vector<64x256xf32>
      %mul3A_425 = arith.mulf %div3A_423, %mul3A_424 : vector<64x256xf32>
      %reduce_max3A_426 = arith.constant dense<0xFF800000> : vector<256xf32>
      %reduce_max3A_427 = vector.multi_reduction <maximumf>, %mul3A_425, %reduce_max3A_426 [0] : vector<64x256xf32> to vector<256xf32>
      %broadcast_in_dim3A_428 = vector.shape_cast %reduce_max3A_427 : vector<256xf32> to vector<1x256xf32>
      %sub3A_429 = vector.broadcast %broadcast_in_dim3A_428 : vector<1x256xf32> to vector<64x256xf32>
      %sub3A_430 = arith.subf %mul3A_425, %sub3A_429 : vector<64x256xf32>
      %exp3A_431 = math.exp %sub3A_430 : vector<64x256xf32>
      %reduce_sum3A_432 = arith.constant dense<0.000000e+00> : vector<256xf32>
      %reduce_sum3A_433 = vector.multi_reduction <add>, %exp3A_431, %reduce_sum3A_432 [0] : vector<64x256xf32> to vector<256xf32>
      %broadcast_in_dim3A_434 = vector.shape_cast %reduce_sum3A_433 : vector<256xf32> to vector<1x256xf32>
      %div3A_435 = vector.broadcast %broadcast_in_dim3A_434 : vector<1x256xf32> to vector<64x256xf32>
      %div3A_436 = arith.divf %exp3A_431, %div3A_435 : vector<64x256xf32>
      %broadcast_in_dim3A_437 = vector.shape_cast %div3A_436 : vector<64x256xf32> to vector<64x1x256xf32>
      %mul3A_438 = vector.broadcast %broadcast_in_dim3A_437 : vector<64x1x256xf32> to vector<64x64x256xf32>
      %mul3A_439 = arith.mulf %mul3A_438, %add3A_400 : vector<64x64x256xf32>
      %reduce_sum3A_440 = arith.constant dense<0.000000e+00> : vector<64x256xf32>
      %reduce_sum3A_441 = vector.multi_reduction <add>, %mul3A_439, %reduce_sum3A_440 [0] : vector<64x64x256xf32> to vector<64x256xf32>
      %transpose3A_442 = tpu.transpose %reduce_sum3A_441, [1, 0] : vector<64x256xf32> -> vector<256x64xf32>
      %swap3A_443 = arith.index_cast %scan3A_254 : i32 to index
      %swap3A_444 = arith.constant 0 : index
      %swap3A_445 = arith.constant 0 : index
      %swap3A_446 = vector.load %arg17[%swap3A_443, %swap3A_444, %swap3A_445] : memref<21x64x256xf32, #tpu.memory_space<vmem>>, vector<1x64x256xf32>
      %swap3A_447 = vector.shape_cast %swap3A_446 : vector<1x64x256xf32> to vector<64x256xf32>
      %swap3A_448 = vector.shape_cast %div3A_436 : vector<64x256xf32> to vector<1x64x256xf32>
      tpu.vector_store %arg17[%swap3A_443, %swap3A_444, %swap3A_445], %swap3A_448 {strides = array<i32>} : memref<21x64x256xf32, #tpu.memory_space<vmem>>, vector<1x64x256xf32>,
      %swap3A_449 = arith.index_cast %scan3A_254 : i32 to index
      %swap3A_450 = arith.constant 0 : index
      %swap3A_451 = arith.constant 0 : index
      %swap3A_452 = vector.load %arg18[%swap3A_449, %swap3A_450, %swap3A_451] : memref<21x64x256xf32, #tpu.memory_space<vmem>>, vector<1x64x256xf32>
      %swap3A_453 = vector.shape_cast %swap3A_452 : vector<1x64x256xf32> to vector<64x256xf32>
      %swap3A_454 = vector.shape_cast %div3A_390 : vector<64x256xf32> to vector<1x64x256xf32>
      tpu.vector_store %arg18[%swap3A_449, %swap3A_450, %swap3A_451], %swap3A_454 {strides = array<i32>} : memref<21x64x256xf32, #tpu.memory_space<vmem>>, vector<1x64x256xf32>,
      scf.yield %min3A_306, %add3A_292, %add3A_400, %transpose3A_442, %sqrt3A_404 : vector<256x128xf32>, vector<256x128xf32>, vector<64x64x256xf32>, vector<256x64xf32>, vector<64x256xf32>
    }
    %scan3A_34 = arith.constant 20 : i32
    %broadcast_in_dim3A = arith.constant 0.000000e+00 : f32
    %broadcast_in_dim3A_35 = vector.broadcast %broadcast_in_dim3A : f32 to vector<256x64xf32>
    %concatenate3A = tpu.concatenate %broadcast_in_dim3A_35, %scan3A_33#3 in 1 : vector<256x64xf32>, vector<256x64xf32> -> vector<256x128xf32>
    %dot_general3A = arith.constant dense<0.000000e+00> : vector<256x512xf32>
    %dot_general3A_36 = tpu.matmul %concatenate3A, %get3A_1, %dot_general3A {dimension_numbers = #tpu.dot_dimension_numbers<[1], [0], [0], [1], [0, 0, 1, 1], [], []>, precision = #tpu.contract_precision<fp32>, transpose_lhs_hint = false} : vector<256x128xf32>, vector<128x512xf32>, vector<256x512xf32> -> vector<256x512xf32>
    %dot_general3A_37 = arith.constant dense<0.000000e+00> : vector<256x512xf32>
    %dot_general3A_38 = tpu.matmul %scan3A_33#0, %get3A_4, %dot_general3A_37 {dimension_numbers = #tpu.dot_dimension_numbers<[1], [0], [0], [1], [0, 0, 1, 1], [], []>, precision = #tpu.contract_precision<fp32>, transpose_lhs_hint = false} : vector<256x128xf32>, vector<128x512xf32>, vector<256x512xf32> -> vector<256x512xf32>
    %add3A = arith.addf %dot_general3A_36, %dot_general3A_38 : vector<256x512xf32>
    %add3A_39 = vector.broadcast %get3A_13 : vector<1x512xf32> to vector<256x512xf32>
    %add3A_40 = arith.addf %add3A, %add3A_39 : vector<256x512xf32>
    %slice3A = vector.extract_strided_slice %add3A_40 {offsets = [0, 0], sizes = [256, 128], strides = [1, 1]} : vector<256x512xf32> to vector<256x128xf32>
    %slice3A_41 = vector.extract_strided_slice %add3A_40 {offsets = [0, 128], sizes = [256, 128], strides = [1, 1]} : vector<256x512xf32> to vector<256x128xf32>
    %slice3A_42 = vector.extract_strided_slice %add3A_40 {offsets = [0, 256], sizes = [256, 128], strides = [1, 1]} : vector<256x512xf32> to vector<256x128xf32>
    %slice3A_43 = vector.extract_strided_slice %add3A_40 {offsets = [0, 384], sizes = [256, 128], strides = [1, 1]} : vector<256x512xf32> to vector<256x128xf32>
    %logistic3A = arith.negf %slice3A_41 : vector<256x128xf32>
    %logistic3A_44 = math.exp %logistic3A : vector<256x128xf32>
    %logistic3A_45 = arith.constant 1.000000e+00 : f32
    %logistic3A_46 = vector.broadcast %logistic3A_45 : f32 to vector<256x128xf32>
    %logistic3A_47 = arith.addf %logistic3A_46, %logistic3A_44 : vector<256x128xf32>
    %logistic3A_48 = arith.divf %logistic3A_46, %logistic3A_47 : vector<256x128xf32>
    %mul3A = arith.mulf %logistic3A_48, %scan3A_33#1 : vector<256x128xf32>
    %logistic3A_49 = arith.negf %slice3A : vector<256x128xf32>
    %logistic3A_50 = math.exp %logistic3A_49 : vector<256x128xf32>
    %logistic3A_51 = arith.constant 1.000000e+00 : f32
    %logistic3A_52 = vector.broadcast %logistic3A_51 : f32 to vector<256x128xf32>
    %logistic3A_53 = arith.addf %logistic3A_52, %logistic3A_50 : vector<256x128xf32>
    %logistic3A_54 = arith.divf %logistic3A_52, %logistic3A_53 : vector<256x128xf32>
    %tanh3A = math.tanh %slice3A_42 : vector<256x128xf32>
    %mul3A_55 = arith.mulf %logistic3A_54, %tanh3A : vector<256x128xf32>
    %add3A_56 = arith.addf %mul3A, %mul3A_55 : vector<256x128xf32>
    %logistic3A_57 = arith.negf %slice3A_43 : vector<256x128xf32>
    %logistic3A_58 = math.exp %logistic3A_57 : vector<256x128xf32>
    %logistic3A_59 = arith.constant 1.000000e+00 : f32
    %logistic3A_60 = vector.broadcast %logistic3A_59 : f32 to vector<256x128xf32>
    %logistic3A_61 = arith.addf %logistic3A_60, %logistic3A_58 : vector<256x128xf32>
    %logistic3A_62 = arith.divf %logistic3A_60, %logistic3A_61 : vector<256x128xf32>
    %tanh3A_63 = math.tanh %add3A_56 : vector<256x128xf32>
    %mul3A_64 = arith.mulf %logistic3A_62, %tanh3A_63 : vector<256x128xf32>
    %jit3A = arith.constant -2.000000e+01 : f32
    %jit3A_65 = arith.constant 2.000000e+01 : f32
    %max3A = vector.broadcast %jit3A : f32 to vector<256x128xf32>
    %max3A_66 = arith.maximumf %max3A, %mul3A_64 : vector<256x128xf32>
    %min3A = vector.broadcast %jit3A_65 : f32 to vector<256x128xf32>
    %min3A_67 = arith.minimumf %min3A, %max3A_66 : vector<256x128xf32>
    %dot_general3A_68 = arith.constant dense<0.000000e+00> : vector<256x320xf32>
    %dot_general3A_69 = tpu.matmul %min3A_67, %get3A_7, %dot_general3A_68 {dimension_numbers = #tpu.dot_dimension_numbers<[1], [0], [0], [1], [0, 0, 1, 1], [], []>, precision = #tpu.contract_precision<fp32>, transpose_lhs_hint = false} : vector<256x128xf32>, vector<128x320xf32>, vector<256x320xf32> -> vector<256x320xf32>
    %add3A_70 = vector.broadcast %get3A_10 : vector<1x320xf32> to vector<256x320xf32>
    %add3A_71 = arith.addf %dot_general3A_69, %add3A_70 : vector<256x320xf32>
    %slice3A_72 = vector.extract_strided_slice %add3A_71 {offsets = [0, 0], sizes = [256, 256], strides = [1, 1]} : vector<256x320xf32> to vector<256x256xf32>
    %transpose3A = tpu.transpose %slice3A_72, [1, 0] : vector<256x256xf32> -> vector<256x256xf32>
    %slice3A_73 = vector.extract_strided_slice %transpose3A {offsets = [0, 0], sizes = [64, 256], strides = [1, 1]} : vector<256x256xf32> to vector<64x256xf32>
    %slice3A_74 = vector.extract_strided_slice %transpose3A {offsets = [64, 0], sizes = [64, 256], strides = [1, 1]} : vector<256x256xf32> to vector<64x256xf32>
    %logistic3A_75 = arith.negf %slice3A_74 : vector<64x256xf32>
    %logistic3A_76 = math.exp %logistic3A_75 : vector<64x256xf32>
    %logistic3A_77 = arith.constant 1.000000e+00 : f32
    %logistic3A_78 = vector.broadcast %logistic3A_77 : f32 to vector<64x256xf32>
    %logistic3A_79 = arith.addf %logistic3A_78, %logistic3A_76 : vector<64x256xf32>
    %logistic3A_80 = arith.divf %logistic3A_78, %logistic3A_79 : vector<64x256xf32>
    %slice3A_81 = vector.extract_strided_slice %transpose3A {offsets = [128, 0], sizes = [64, 256], strides = [1, 1]} : vector<256x256xf32> to vector<64x256xf32>
    %slice3A_82 = vector.extract_strided_slice %transpose3A {offsets = [192, 0], sizes = [64, 256], strides = [1, 1]} : vector<256x256xf32> to vector<64x256xf32>
    %slice3A_83 = vector.extract_strided_slice %add3A_71 {offsets = [0, 256], sizes = [256, 2], strides = [1, 1]} : vector<256x320xf32> to vector<256x2xf32>
    %transpose3A_84 = tpu.transpose %slice3A_83, [1, 0] : vector<256x2xf32> -> vector<2x256xf32>
    %slice3A_85 = vector.extract_strided_slice %transpose3A_84 {offsets = [0, 0], sizes = [1, 256], strides = [1, 1]} : vector<2x256xf32> to vector<1x256xf32>
    %custom_jvp_call3A = arith.constant 0.000000e+00 : f32
    %max3A_86 = vector.broadcast %custom_jvp_call3A : f32 to vector<1x256xf32>
    %max3A_87 = arith.maximumf %slice3A_85, %max3A_86 : vector<1x256xf32>
    %sub3A = vector.broadcast %custom_jvp_call3A : f32 to vector<1x256xf32>
    %sub3A_88 = arith.subf %slice3A_85, %sub3A : vector<1x256xf32>
    %ne3A = arith.cmpf one, %sub3A_88, %sub3A_88 : vector<1x256xf32>
    %add3A_89 = vector.broadcast %custom_jvp_call3A : f32 to vector<1x256xf32>
    %add3A_90 = arith.addf %slice3A_85, %add3A_89 : vector<1x256xf32>
    %abs3A = math.absf %sub3A_88 : vector<1x256xf32>
    %neg3A = arith.constant 0.000000e+00 : f32
    %neg3A_91 = vector.broadcast %neg3A : f32 to vector<1x256xf32>
    %neg3A_92 = arith.subf %neg3A_91, %abs3A : vector<1x256xf32>
    %exp3A = math.exp %neg3A_92 : vector<1x256xf32>
    %log1p3A = math.log1p %exp3A : vector<1x256xf32>
    %add3A_93 = arith.addf %max3A_87, %log1p3A : vector<1x256xf32>
    %select_n3A = arith.select %ne3A, %add3A_90, %add3A_93 : vector<1x256xi1>, vector<1x256xf32>
    %slice3A_94 = vector.extract_strided_slice %transpose3A_84 {offsets = [1, 0], sizes = [1, 256], strides = [1, 1]} : vector<2x256xf32> to vector<1x256xf32>
    %custom_jvp_call3A_95 = arith.constant 0.000000e+00 : f32
    %max3A_96 = vector.broadcast %custom_jvp_call3A_95 : f32 to vector<1x256xf32>
    %max3A_97 = arith.maximumf %slice3A_94, %max3A_96 : vector<1x256xf32>
    %sub3A_98 = vector.broadcast %custom_jvp_call3A_95 : f32 to vector<1x256xf32>
    %sub3A_99 = arith.subf %slice3A_94, %sub3A_98 : vector<1x256xf32>
    %ne3A_100 = arith.cmpf one, %sub3A_99, %sub3A_99 : vector<1x256xf32>
    %add3A_101 = vector.broadcast %custom_jvp_call3A_95 : f32 to vector<1x256xf32>
    %add3A_102 = arith.addf %slice3A_94, %add3A_101 : vector<1x256xf32>
    %abs3A_103 = math.absf %sub3A_99 : vector<1x256xf32>
    %neg3A_104 = arith.constant 0.000000e+00 : f32
    %neg3A_105 = vector.broadcast %neg3A_104 : f32 to vector<1x256xf32>
    %neg3A_106 = arith.subf %neg3A_105, %abs3A_103 : vector<1x256xf32>
    %exp3A_107 = math.exp %neg3A_106 : vector<1x256xf32>
    %log1p3A_108 = math.log1p %exp3A_107 : vector<1x256xf32>
    %add3A_109 = arith.addf %max3A_97, %log1p3A_108 : vector<1x256xf32>
    %select_n3A_110 = arith.select %ne3A_100, %add3A_102, %add3A_109 : vector<1x256xi1>, vector<1x256xf32>
    %mul3A_111 = arith.mulf %slice3A_73, %slice3A_73 : vector<64x256xf32>
    %reduce_sum3A = arith.constant dense<0.000000e+00> : vector<256xf32>
    %reduce_sum3A_112 = vector.multi_reduction <add>, %mul3A_111, %reduce_sum3A [0] : vector<64x256xf32> to vector<256xf32>
    %broadcast_in_dim3A_113 = vector.shape_cast %reduce_sum3A_112 : vector<256xf32> to vector<1x256xf32>
    %sqrt3A = math.sqrt %broadcast_in_dim3A_113 : vector<1x256xf32>
    %add3A_114 = arith.constant 9.99999997E-7 : f32
    %add3A_115 = vector.broadcast %add3A_114 : f32 to vector<1x256xf32>
    %add3A_116 = arith.addf %sqrt3A, %add3A_115 : vector<1x256xf32>
    %broadcast_in_dim3A_117 = vector.shape_cast %slice3A_73 : vector<64x256xf32> to vector<1x64x256xf32>
    %mul3A_118 = vector.broadcast %broadcast_in_dim3A_117 : vector<1x64x256xf32> to vector<64x64x256xf32>
    %mul3A_119 = arith.mulf %scan3A_33#2, %mul3A_118 : vector<64x64x256xf32>
    %reduce_sum3A_120 = arith.constant dense<0.000000e+00> : vector<64x256xf32>
    %reduce_sum3A_121 = vector.multi_reduction <add>, %mul3A_119, %reduce_sum3A_120 [1] : vector<64x64x256xf32> to vector<64x256xf32>
    %add3A_122 = arith.constant 9.99999997E-7 : f32
    %add3A_123 = vector.broadcast %add3A_122 : f32 to vector<64x256xf32>
    %add3A_124 = arith.addf %scan3A_33#4, %add3A_123 : vector<64x256xf32>
    %mul3A_125 = vector.broadcast %add3A_116 : vector<1x256xf32> to vector<64x256xf32>
    %mul3A_126 = arith.mulf %add3A_124, %mul3A_125 : vector<64x256xf32>
    %div3A = arith.divf %reduce_sum3A_121, %mul3A_126 : vector<64x256xf32>
    %mul3A_127 = vector.broadcast %select_n3A : vector<1x256xf32> to vector<64x256xf32>
    %mul3A_128 = arith.mulf %div3A, %mul3A_127 : vector<64x256xf32>
    %reduce_max3A = arith.constant dense<0xFF800000> : vector<256xf32>
    %reduce_max3A_129 = vector.multi_reduction <maximumf>, %mul3A_128, %reduce_max3A [0] : vector<64x256xf32> to vector<256xf32>
    %broadcast_in_dim3A_130 = vector.shape_cast %reduce_max3A_129 : vector<256xf32> to vector<1x256xf32>
    %sub3A_131 = vector.broadcast %broadcast_in_dim3A_130 : vector<1x256xf32> to vector<64x256xf32>
    %sub3A_132 = arith.subf %mul3A_128, %sub3A_131 : vector<64x256xf32>
    %exp3A_133 = math.exp %sub3A_132 : vector<64x256xf32>
    %reduce_sum3A_134 = arith.constant dense<0.000000e+00> : vector<256xf32>
    %reduce_sum3A_135 = vector.multi_reduction <add>, %exp3A_133, %reduce_sum3A_134 [0] : vector<64x256xf32> to vector<256xf32>
    %broadcast_in_dim3A_136 = vector.shape_cast %reduce_sum3A_135 : vector<256xf32> to vector<1x256xf32>
    %div3A_137 = vector.broadcast %broadcast_in_dim3A_136 : vector<1x256xf32> to vector<64x256xf32>
    %div3A_138 = arith.divf %exp3A_133, %div3A_137 : vector<64x256xf32>
    %broadcast_in_dim3A_139 = vector.shape_cast %div3A_138 : vector<64x256xf32> to vector<64x1x256xf32>
    %broadcast_in_dim3A_140 = vector.shape_cast %slice3A_81 : vector<64x256xf32> to vector<1x64x256xf32>
    %broadcast_in_dim3A_141 = vector.shape_cast %logistic3A_80 : vector<64x256xf32> to vector<1x64x256xf32>
    %mul3A_142 = vector.broadcast %broadcast_in_dim3A_141 : vector<1x64x256xf32> to vector<64x64x256xf32>
    %mul3A_143 = arith.mulf %scan3A_33#2, %mul3A_142 : vector<64x64x256xf32>
    %sub3A_144 = vector.broadcast %broadcast_in_dim3A_140 : vector<1x64x256xf32> to vector<64x64x256xf32>
    %sub3A_145 = arith.subf %sub3A_144, %mul3A_143 : vector<64x64x256xf32>
    %mul3A_146 = vector.broadcast %broadcast_in_dim3A_139 : vector<64x1x256xf32> to vector<64x64x256xf32>
    %mul3A_147 = arith.mulf %mul3A_146, %sub3A_145 : vector<64x64x256xf32>
    %add3A_148 = arith.addf %scan3A_33#2, %mul3A_147 : vector<64x64x256xf32>
    %mul3A_149 = arith.mulf %add3A_148, %add3A_148 : vector<64x64x256xf32>
    %reduce_sum3A_150 = arith.constant dense<0.000000e+00> : vector<64x256xf32>
    %reduce_sum3A_151 = vector.multi_reduction <add>, %mul3A_149, %reduce_sum3A_150 [1] : vector<64x64x256xf32> to vector<64x256xf32>
    %sqrt3A_152 = math.sqrt %reduce_sum3A_151 : vector<64x256xf32>
    %mul3A_153 = arith.mulf %slice3A_82, %slice3A_82 : vector<64x256xf32>
    %reduce_sum3A_154 = arith.constant dense<0.000000e+00> : vector<256xf32>
    %reduce_sum3A_155 = vector.multi_reduction <add>, %mul3A_153, %reduce_sum3A_154 [0] : vector<64x256xf32> to vector<256xf32>
    %broadcast_in_dim3A_156 = vector.shape_cast %reduce_sum3A_155 : vector<256xf32> to vector<1x256xf32>
    %sqrt3A_157 = math.sqrt %broadcast_in_dim3A_156 : vector<1x256xf32>
    %add3A_158 = arith.constant 9.99999997E-7 : f32
    %add3A_159 = vector.broadcast %add3A_158 : f32 to vector<1x256xf32>
    %add3A_160 = arith.addf %sqrt3A_157, %add3A_159 : vector<1x256xf32>
    %broadcast_in_dim3A_161 = vector.shape_cast %slice3A_82 : vector<64x256xf32> to vector<1x64x256xf32>
    %mul3A_162 = vector.broadcast %broadcast_in_dim3A_161 : vector<1x64x256xf32> to vector<64x64x256xf32>
    %mul3A_163 = arith.mulf %add3A_148, %mul3A_162 : vector<64x64x256xf32>
    %reduce_sum3A_164 = arith.constant dense<0.000000e+00> : vector<64x256xf32>
    %reduce_sum3A_165 = vector.multi_reduction <add>, %mul3A_163, %reduce_sum3A_164 [1] : vector<64x64x256xf32> to vector<64x256xf32>
    %add3A_166 = arith.constant 9.99999997E-7 : f32
    %add3A_167 = vector.broadcast %add3A_166 : f32 to vector<64x256xf32>
    %add3A_168 = arith.addf %sqrt3A_152, %add3A_167 : vector<64x256xf32>
    %mul3A_169 = vector.broadcast %add3A_160 : vector<1x256xf32> to vector<64x256xf32>
    %mul3A_170 = arith.mulf %add3A_168, %mul3A_169 : vector<64x256xf32>
    %div3A_171 = arith.divf %reduce_sum3A_165, %mul3A_170 : vector<64x256xf32>
    %mul3A_172 = vector.broadcast %select_n3A_110 : vector<1x256xf32> to vector<64x256xf32>
    %mul3A_173 = arith.mulf %div3A_171, %mul3A_172 : vector<64x256xf32>
    %reduce_max3A_174 = arith.constant dense<0xFF800000> : vector<256xf32>
    %reduce_max3A_175 = vector.multi_reduction <maximumf>, %mul3A_173, %reduce_max3A_174 [0] : vector<64x256xf32> to vector<256xf32>
    %broadcast_in_dim3A_176 = vector.shape_cast %reduce_max3A_175 : vector<256xf32> to vector<1x256xf32>
    %sub3A_177 = vector.broadcast %broadcast_in_dim3A_176 : vector<1x256xf32> to vector<64x256xf32>
    %sub3A_178 = arith.subf %mul3A_173, %sub3A_177 : vector<64x256xf32>
    %exp3A_179 = math.exp %sub3A_178 : vector<64x256xf32>
    %reduce_sum3A_180 = arith.constant dense<0.000000e+00> : vector<256xf32>
    %reduce_sum3A_181 = vector.multi_reduction <add>, %exp3A_179, %reduce_sum3A_180 [0] : vector<64x256xf32> to vector<256xf32>
    %broadcast_in_dim3A_182 = vector.shape_cast %reduce_sum3A_181 : vector<256xf32> to vector<1x256xf32>
    %div3A_183 = vector.broadcast %broadcast_in_dim3A_182 : vector<1x256xf32> to vector<64x256xf32>
    %div3A_184 = arith.divf %exp3A_179, %div3A_183 : vector<64x256xf32>
    %broadcast_in_dim3A_185 = vector.shape_cast %div3A_184 : vector<64x256xf32> to vector<64x1x256xf32>
    %mul3A_186 = vector.broadcast %broadcast_in_dim3A_185 : vector<64x1x256xf32> to vector<64x64x256xf32>
    %mul3A_187 = arith.mulf %mul3A_186, %add3A_148 : vector<64x64x256xf32>
    %reduce_sum3A_188 = arith.constant dense<0.000000e+00> : vector<64x256xf32>
    %reduce_sum3A_189 = vector.multi_reduction <add>, %mul3A_187, %reduce_sum3A_188 [0] : vector<64x64x256xf32> to vector<64x256xf32>
    %transpose3A_190 = tpu.transpose %reduce_sum3A_189, [1, 0] : vector<64x256xf32> -> vector<256x64xf32>
    %swap3A = arith.constant 20 : index
    %swap3A_191 = arith.constant 0 : index
    %swap3A_192 = arith.constant 0 : index
    %swap3A_193 = vector.load %arg17[%swap3A, %swap3A_191, %swap3A_192] : memref<21x64x256xf32, #tpu.memory_space<vmem>>, vector<1x64x256xf32>
    %swap3A_194 = vector.shape_cast %swap3A_193 : vector<1x64x256xf32> to vector<64x256xf32>
    %swap3A_195 = vector.shape_cast %div3A_184 : vector<64x256xf32> to vector<1x64x256xf32>
    tpu.vector_store %arg17[%swap3A, %swap3A_191, %swap3A_192], %swap3A_195 {strides = array<i32>} : memref<21x64x256xf32, #tpu.memory_space<vmem>>, vector<1x64x256xf32>,
    %swap3A_196 = arith.constant 20 : index
    %swap3A_197 = arith.constant 0 : index
    %swap3A_198 = arith.constant 0 : index
    %swap3A_199 = vector.load %arg18[%swap3A_196, %swap3A_197, %swap3A_198] : memref<21x64x256xf32, #tpu.memory_space<vmem>>, vector<1x64x256xf32>
    %swap3A_200 = vector.shape_cast %swap3A_199 : vector<1x64x256xf32> to vector<64x256xf32>
    %swap3A_201 = vector.shape_cast %div3A_138 : vector<64x256xf32> to vector<1x64x256xf32>
    tpu.vector_store %arg18[%swap3A_196, %swap3A_197, %swap3A_198], %swap3A_201 {strides = array<i32>} : memref<21x64x256xf32, #tpu.memory_space<vmem>>, vector<1x64x256xf32>,
    %get3A_202 = arith.constant 0 : index
    %get3A_203 = arith.constant 0 : index
    %get3A_204 = vector.load %arg7[%get3A_202, %get3A_203] : memref<192x64xf32, #tpu.memory_space<vmem>>, vector<192x64xf32>
    %concatenate3A_205 = tpu.concatenate %min3A_67, %transpose3A_190 in 1 : vector<256x128xf32>, vector<256x64xf32> -> vector<256x192xf32>
    %broadcast_in_dim3A_206 = vector.shape_cast %concatenate3A_205 : vector<256x192xf32> to vector<256x192x1xf32>
    %broadcast_in_dim3A_207 = vector.shape_cast %get3A_204 : vector<192x64xf32> to vector<1x192x64xf32>
    %mul3A_208 = vector.broadcast %broadcast_in_dim3A_206 : vector<256x192x1xf32> to vector<256x192x64xf32>
    %mul3A_209 = vector.broadcast %broadcast_in_dim3A_207 : vector<1x192x64xf32> to vector<256x192x64xf32>
    %mul3A_210 = arith.mulf %mul3A_208, %mul3A_209 : vector<256x192x64xf32>
    %reduce_sum3A_211 = arith.constant dense<0.000000e+00> : vector<256x64xf32>
    %reduce_sum3A_212 = vector.multi_reduction <add>, %mul3A_210, %reduce_sum3A_211 [1] : vector<256x192x64xf32> to vector<256x64xf32>
    %get3A_213 = arith.constant 0 : index
    %get3A_214 = arith.constant 0 : index
    %get3A_215 = vector.load %arg8[%get3A_213, %get3A_214] : memref<1x64xf32, #tpu.memory_space<vmem>>, vector<1x64xf32>
    %add3A_216 = vector.broadcast %get3A_215 : vector<1x64xf32> to vector<256x64xf32>
    %add3A_217 = arith.addf %reduce_sum3A_212, %add3A_216 : vector<256x64xf32>
    %jit3A_218 = arith.constant 2 : i32
    %eq3A = arith.constant 0 : i32
    %eq3A_219 = arith.cmpi eq, %jit3A_218, %eq3A : i32
    %jit3A_220 = arith.constant 1 : i32
    %select_n3A_221 = arith.select %eq3A_219, %jit3A_220, %jit3A_218 : i32
    %rem3A = arith.remsi %arg0, %select_n3A_221 : i32
    %ne3A_222 = arith.constant 0 : i32
    %ne3A_223 = arith.cmpi ne, %rem3A, %ne3A_222 : i32
    %lt3A = arith.constant 0 : i32
    %lt3A_224 = arith.cmpi slt, %rem3A, %lt3A : i32
    %lt3A_225 = arith.constant 0 : i32
    %lt3A_226 = arith.cmpi slt, %select_n3A_221, %lt3A_225 : i32
    %ne3A_227 = arith.xori %lt3A_224, %lt3A_226 : i1
    %and3A = arith.andi %ne3A_227, %ne3A_223 : i1
    %add3A_228 = arith.addi %rem3A, %select_n3A_221 : i32
    %select_n3A_229 = arith.select %and3A, %add3A_228, %rem3A : i32
    %eq3A_230 = arith.constant 0 : i32
    %eq3A_231 = arith.cmpi eq, %select_n3A_229, %eq3A_230 : i32
    %convert_element_type3A = arith.extui %eq3A_231 : i1 to i32
    %cond3A = arith.constant 0 : i32
    %cond3A_232 = arith.cmpi ne, %convert_element_type3A, %cond3A : i32
    scf.if %cond3A_232 {
      %swap3A_254 = arith.constant 0 : index
      %swap3A_255 = arith.constant 0 : index
      %swap3A_256 = vector.load %arg19[%swap3A_254, %swap3A_255] : memref<256x64xf32, #tpu.memory_space<vmem>>, vector<256x64xf32>
      tpu.vector_store %arg19[%swap3A_254, %swap3A_255], %add3A_217 {strides = array<i32>} : memref<256x64xf32, #tpu.memory_space<vmem>>, vector<256x64xf32>,
    } else {
    }
    %jit3A_233 = arith.constant 2 : i32
    %eq3A_234 = arith.constant 0 : i32
    %eq3A_235 = arith.cmpi eq, %jit3A_233, %eq3A_234 : i32
    %jit3A_236 = arith.constant 1 : i32
    %select_n3A_237 = arith.select %eq3A_235, %jit3A_236, %jit3A_233 : i32
    %rem3A_238 = arith.remsi %arg0, %select_n3A_237 : i32
    %ne3A_239 = arith.constant 0 : i32
    %ne3A_240 = arith.cmpi ne, %rem3A_238, %ne3A_239 : i32
    %lt3A_241 = arith.constant 0 : i32
    %lt3A_242 = arith.cmpi slt, %rem3A_238, %lt3A_241 : i32
    %lt3A_243 = arith.constant 0 : i32
    %lt3A_244 = arith.cmpi slt, %select_n3A_237, %lt3A_243 : i32
    %ne3A_245 = arith.xori %lt3A_242, %lt3A_244 : i1
    %and3A_246 = arith.andi %ne3A_245, %ne3A_240 : i1
    %add3A_247 = arith.addi %rem3A_238, %select_n3A_237 : i32
    %select_n3A_248 = arith.select %and3A_246, %add3A_247, %rem3A_238 : i32
    %eq3A_249 = arith.constant 1 : i32
    %eq3A_250 = arith.cmpi eq, %select_n3A_248, %eq3A_249 : i32
    %convert_element_type3A_251 = arith.extui %eq3A_250 : i1 to i32
    %cond3A_252 = arith.constant 0 : i32
    %cond3A_253 = arith.cmpi ne, %convert_element_type3A_251, %cond3A_252 : i32
    scf.if %cond3A_253 {
      %get3A_254 = arith.constant 0 : index
      %get3A_255 = arith.constant 0 : index
      %get3A_256 = vector.load %arg19[%get3A_254, %get3A_255] : memref<256x64xf32, #tpu.memory_space<vmem>>, vector<256x64xf32>
      %concatenate3A_257 = tpu.concatenate %get3A_256, %add3A_217 in 1 : vector<256x64xf32>, vector<256x64xf32> -> vector<256x128xf32>
      %get3A_258 = arith.constant 0 : index
      %get3A_259 = arith.constant 0 : index
      %get3A_260 = vector.load %arg9[%get3A_258, %get3A_259] : memref<2x128xf32, #tpu.memory_space<vmem>>, vector<2x128xf32>
      %slice3A_261 = vector.extract_strided_slice %get3A_260 {offsets = [0, 0], sizes = [1, 128], strides = [1, 1]} : vector<2x128xf32> to vector<1x128xf32>
      %mul3A_262 = vector.broadcast %slice3A_261 : vector<1x128xf32> to vector<256x128xf32>
      %mul3A_263 = arith.mulf %concatenate3A_257, %mul3A_262 : vector<256x128xf32>
      %reduce_sum3A_264 = arith.constant dense<0.000000e+00> : vector<256xf32>
      %reduce_sum3A_265 = vector.multi_reduction <add>, %mul3A_263, %reduce_sum3A_264 [1] : vector<256x128xf32> to vector<256xf32>
      %broadcast_in_dim3A_266 = vector.shape_cast %reduce_sum3A_265 : vector<256xf32> to vector<256x1xf32>
      %slice3A_267 = vector.extract_strided_slice %get3A_260 {offsets = [1, 0], sizes = [1, 128], strides = [1, 1]} : vector<2x128xf32> to vector<1x128xf32>
      %mul3A_268 = vector.broadcast %slice3A_267 : vector<1x128xf32> to vector<256x128xf32>
      %mul3A_269 = arith.mulf %concatenate3A_257, %mul3A_268 : vector<256x128xf32>
      %reduce_sum3A_270 = arith.constant dense<0.000000e+00> : vector<256xf32>
      %reduce_sum3A_271 = vector.multi_reduction <add>, %mul3A_269, %reduce_sum3A_270 [1] : vector<256x128xf32> to vector<256xf32>
      %broadcast_in_dim3A_272 = vector.shape_cast %reduce_sum3A_271 : vector<256xf32> to vector<256x1xf32>
      %concatenate3A_273 = tpu.concatenate %broadcast_in_dim3A_266, %broadcast_in_dim3A_272 in 1 : vector<256x1xf32>, vector<256x1xf32> -> vector<256x2xf32>
      %get3A_274 = arith.constant 0 : index
      %get3A_275 = arith.constant 0 : index
      %get3A_276 = vector.load %arg10[%get3A_274, %get3A_275] : memref<1x2xf32, #tpu.memory_space<vmem>>, vector<1x2xf32>
      %add3A_277 = vector.broadcast %get3A_276 : vector<1x2xf32> to vector<256x2xf32>
      %add3A_278 = arith.addf %concatenate3A_273, %add3A_277 : vector<256x2xf32>
      %swap3A_279 = arith.constant 0 : index
      %swap3A_280 = arith.constant 0 : index
      %swap3A_281 = vector.load %arg16[%swap3A_279, %swap3A_280] : memref<256x2xf32, #tpu.memory_space<vmem>>, vector<256x2xf32>
      tpu.vector_store %arg16[%swap3A_279, %swap3A_280], %add3A_278 {strides = array<i32>} : memref<256x2xf32, #tpu.memory_space<vmem>>, vector<256x2xf32>,
    } else {
    }
    return
  }
  func.func @transform_0(%arg0: i32) -> (i32, i32, i32) {
    %c0_i32 = arith.constant 0 : i32
    %c0_i32_0 = arith.constant 0 : i32
    %c0_i32_1 = arith.constant 0 : i32
    return %c0_i32, %arg0, %c0_i32_0 : i32, i32, i32
  }
  func.func @transform_1(%arg0: i32) -> (i32, i32) {
    %c0_i32 = arith.constant 0 : i32
    %c0_i32_0 = arith.constant 0 : i32
    %c0_i32_1 = arith.constant 0 : i32
    return %c0_i32, %c0_i32_0 : i32, i32
  }
  func.func @transform_2(%arg0: i32) -> (i32, i32) {
    %c0_i32 = arith.constant 0 : i32
    %c0_i32_0 = arith.constant 0 : i32
    %c0_i32_1 = arith.constant 0 : i32
    return %c0_i32, %c0_i32_0 : i32, i32
  }
  func.func @transform_3(%arg0: i32) -> (i32, i32) {
    %c0_i32 = arith.constant 0 : i32
    %c0_i32_0 = arith.constant 0 : i32
    %c0_i32_1 = arith.constant 0 : i32
    return %c0_i32, %c0_i32_0 : i32, i32
  }
  func.func @transform_4(%arg0: i32) -> (i32, i32) {
    %c0_i32 = arith.constant 0 : i32
    %c0_i32_0 = arith.constant 0 : i32
    %c0_i32_1 = arith.constant 0 : i32
    return %c0_i32, %c0_i32_0 : i32, i32
  }
  func.func @transform_5(%arg0: i32) -> (i32, i32) {
    %c0_i32 = arith.constant 0 : i32
    %c0_i32_0 = arith.constant 0 : i32
    %c0_i32_1 = arith.constant 0 : i32
    return %c0_i32, %c0_i32_0 : i32, i32
  }
  func.func @transform_6(%arg0: i32) -> (i32, i32) {
    %c0_i32 = arith.constant 0 : i32
    %c0_i32_0 = arith.constant 0 : i32
    %c0_i32_1 = arith.constant 0 : i32
    return %c0_i32, %c0_i32_0 : i32, i32
  }
  func.func @transform_7(%arg0: i32) -> (i32, i32) {
    %c0_i32 = arith.constant 0 : i32
    %c0_i32_0 = arith.constant 0 : i32
    %c0_i32_1 = arith.constant 0 : i32
    return %c0_i32, %c0_i32_0 : i32, i32
  }
  func.func @transform_8(%arg0: i32) -> (i32, i32) {
    %c0_i32 = arith.constant 0 : i32
    %c0_i32_0 = arith.constant 0 : i32
    %c0_i32_1 = arith.constant 0 : i32
    return %c0_i32, %c0_i32_0 : i32, i32
  }
  func.func @transform_9(%arg0: i32) -> (i32, i32) {
    %c0_i32 = arith.constant 0 : i32
    %c0_i32_0 = arith.constant 0 : i32
    %c0_i32_1 = arith.constant 0 : i32
    return %c0_i32, %c0_i32_0 : i32, i32
  }
  func.func @transform_10(%arg0: i32) -> (i32, i32) {
    %c0_i32 = arith.constant 0 : i32
    %c0_i32_0 = arith.constant 0 : i32
    %c0_i32_1 = arith.constant 0 : i32
    return %c0_i32, %c0_i32_0 : i32, i32
  }
  func.func @transform_11(%arg0: i32) -> (i32, i32) {
    %c0_i32 = arith.constant 0 : i32
    %c0_i32_0 = arith.constant 0 : i32
    %c0_i32_1 = arith.constant 0 : i32
    return %c0_i32, %c0_i32_0 : i32, i32
  }
  func.func @transform_12(%arg0: i32) -> (i32, i32, i32) {
    %c0_i32 = arith.constant 0 : i32
    %c0_i32_0 = arith.constant 0 : i32
    %c0_i32_1 = arith.constant 0 : i32
    %c0_i32_2 = arith.constant 0 : i32
    return %c0_i32, %c0_i32_0, %c0_i32_1 : i32, i32, i32
  }
  func.func @transform_13(%arg0: i32) -> (i32, i32) {
    %c0_i32 = arith.constant 0 : i32
    %c0_i32_0 = arith.constant 0 : i32
    %c0_i32_1 = arith.constant 0 : i32
    return %c0_i32, %c0_i32_0 : i32, i32
  }
  func.func @transform_14(%arg0: i32) -> (i32, i32) {
    %c0_i32 = arith.constant 0 : i32
    %c0_i32_0 = arith.constant 0 : i32
    %c0_i32_1 = arith.constant 0 : i32
    return %c0_i32, %c0_i32_0 : i32, i32
  }
  func.func @transform_15(%arg0: i32) -> (i32, i32) {
    %c0_i32 = arith.constant 0 : i32
    %c0_i32_0 = arith.constant 0 : i32
    %c0_i32_1 = arith.constant 0 : i32
    return %c0_i32, %c0_i32_0 : i32, i32
  }
  func.func @transform_16(%arg0: i32) -> (i32, i32, i32) {
    %c0_i32 = arith.constant 0 : i32
    %c0_i32_0 = arith.constant 0 : i32
    %c0_i32_1 = arith.constant 0 : i32
    return %c0_i32, %c0_i32_0, %arg0 : i32, i32, i32
  }
  func.func @transform_17(%arg0: i32) -> (i32, i32, i32) {
    %c0_i32 = arith.constant 0 : i32
    %c0_i32_0 = arith.constant 0 : i32
    %c0_i32_1 = arith.constant 0 : i32
    return %c0_i32, %c0_i32_0, %arg0 : i32, i32, i32
  }
}

</mosaic_0001>

<sc_bundles>
// kernel: kernel.5.cloned.1.call-start
scs
__scs_entry_jumppad:
0x0: {  	(pc) =	sbr.rel $0x88, $3  }
0x1: {  	(tag) =	ssettag $0x0;
	lr =	simm.s32 $0x1  }
0x2: {  	[smem:$0x3F94] =	sst lr;
	_ =	strace $0xD0000000  }
0x3: {  	_ = 	snop  }
0x4: {  	_ = 	snop  }
0x5: {  	_ = 	snop  }
0x6: {  	_ = 	snop  }
0x7: {  	_ = 	snop  }
__scs_overlays_trampoline_lowered:
0x8: {  	[smem:$0x3FA3] =	sst s0  }
0x9: {  	[smem:$0x3FA4] =	sst s1  }
0xa: {  	[smem:$0x3FA5] =	sst s2  }
0xb: {  	[smem:$0x3FA6] =	sst s3  }
0xc: {  	[smem:$0x3FA7] =	sst s4  }
0xd: {  	[smem:$0x3FA8] =	sst s5  }
0xe: {  	[smem:$0x3FA9] =	sst s6  }
0xf: {  	[smem:$0x3FAA] =	sst s7  }
0x10: {  	[smem:$0x3FAB] =	sst s8  }
0x11: {  	[smem:$0x3FAC] =	sst s9;
	s0 =	simm.s32 @!p0 $0x0  }
0x12: {  	s1 =	sld [smem:$0x3F92];
	s0 =	simm.s32 @p0 $0x1  }
0x13: {  	[smem:$0x3FAD] =	sst s0;
	s0 =	simm.s32 @!p1 $0x0  }
0x14: {  	s2 =	sld [smem:$0x3F91];
	s0 =	simm.s32 @p1 $0x1  }
0x15: {  	[smem:$0x3FAE] =	sst s0;
	s0 =	simm.s32 @!p2 $0x0  }
0x16: {  	s3 =	sld [smem:$0x3FDB];
	s0 =	simm.s32 @p2 $0x1  }
0x17: {  	s4 =	simm.s32 $0x1BF5;
	[smem:$0x3FB0] =	sst s0  }
0x18: {  	s0 =	sld [smem:$0x3F93];
	_ =	swait.ge [sflag:s4], $0x0  }
0x19: {  	s7 =	sld [smem:$0x3F94]  }
0x1a: {  	s8 =	sadd.s32 $0xFFFFE003, lr  }
0x1b: {  	s9 =	sadd.s32 $0xFFFFFEF7, lr;
	s5 =	simm.s32 $0xFFFFFFFF;
	p2 =	slt.u32 s8, $0xFFFFF086  }
0x1c: {  	p1 =	slt.u32 s9, $0xF7A;
	s5 =	simm.s32 @!p2 $0x0  }
0x1d: {  	s5 =	simm.s32 @p1 $0x1;
	p0 =	seq.s32 s7, s2  }
0x1e: {  	s7 =	smul.u32 @!p0 $0xF7A, s2;
	p2 =	seq.s32 @!p0 s5, $0x0  }
0x1f: {  	s9 =	smul.u32 $0xF7A, s1;
	s8 =	simm.s32 @!p0 $0x1BF5;
	p2 =	por !p2, p0  }
0x20: {  	[sflag:s8] =	ssyncset.s32 @!p0 $0xFFFFF086;
	s6 =	sadd.s32 @!p0 s3, s7;
	s7 =	simm.s32 @!p0 $0x108  }
0x21: {  	s3 =	sadd.s32 s3, s9;
	s6 =	sadd.s32 @!p0 $0x88, s6;
	s7 =	simm.s32 @p2 $0x1082  }
0x22: {  	[simem:s7], [sflag:s8] =	dma.local @!p0 [hbm:s6], $0xF7A  }
0x23: {  	s9 =	sor.u32 $0xD0000000, s2;
	s6 =	simm.s32 $0x108;
	_ =	swait.ge @!p0 [sflag:s8], $0x0  }
0x24: {  	s3 =	sadd.s32 $0x88, s3;
	s6 =	simm.s32 @!p1 $0x1082;
	[sflag:s4] =	ssyncset.s32 $0xFFFFF086  }
0x25: {  	[simem:s6], [sflag:s4] =	dma.local [hbm:s3], $0xF7A  }
0x26: {  	[smem:$0x3F94] =	sst s1;
	(tag) =	ssettag s2;
	_ =	strace s9  }
0x27: {  	s1 =	sld [smem:$0x3FA4]  }
0x28: {  	s2 =	sld [smem:$0x3FA5]  }
0x29: {  	s4 =	sld [smem:$0x3FA7]  }
0x2a: {  	p0 =	seq.s32 s5, $0x0;
	s5 =	sld [smem:$0x3FA8]  }
0x2b: {  	s6 =	sld [smem:$0x3FA9]  }
0x2c: {  	s7 =	sld [smem:$0x3FAA]  }
0x2d: {  	s3 =	simm.s32 $0x108;
	s8 =	sld [smem:$0x3FAB]  }
0x2e: {  	s3 =	simm.s32 @!p0 $0x1082;
	s9 =	sld [smem:$0x3FAC]  }
0x2f: {  	lr =	sadd.s32 s0, s3;
	s0 =	sld [smem:$0x3FA3]  }
0x30: {  	s3 =	sld [smem:$0x3FA6]  }
0x31: {  	[smem:$0x3FAF] =	sst s10  }
0x32: {  	s10 =	sld [smem:$0x3FAD];
	_ =	sdelay $0x3  }
0x33: {  	p0 =	seq.s32 s10, $0x1;
	s10 =	sld [smem:$0x3FAF];
	_ =	sdelay $0x3  }
0x34: {  	[smem:$0x3FAF] =	sst s10  }
0x35: {  	s10 =	sld [smem:$0x3FAE];
	_ =	sdelay $0x3  }
0x36: {  	p1 =	seq.s32 s10, $0x1;
	s10 =	sld [smem:$0x3FAF];
	_ =	sdelay $0x3  }
0x37: {  	[smem:$0x3FAF] =	sst s10  }
0x38: {  	s10 =	sld [smem:$0x3FB0]  }
0x39: {  	_ = 	snop;
	(pc) =	sbr.ind lr, $3  }
0x3a: {  	_ = 	snop  }
0x3b: {  	_ = 	snop  }
0x3c: {  	p2 =	seq.s32 s10, $0x1;
	s10 =	sld [smem:$0x3FAF]  }
0x3d: {  	_ =	shalt  }
0x3e: {  	_ =	shalt  }
0x3f: {  	_ =	shalt  }
0x40: {  	_ =	shalt  }
0x41: {  	_ =	shalt  }
0x42: {  	_ =	shalt  }
0x43: {  	_ =	shalt  }
0x44: {  	_ =	shalt  }
0x45: {  	_ =	shalt  }
0x46: {  	_ =	shalt  }
0x47: {  	_ =	shalt  }
0x48: {  	_ =	shalt  }
0x49: {  	_ =	shalt  }
0x4a: {  	_ =	shalt  }
0x4b: {  	_ =	shalt  }
0x4c: {  	_ =	shalt  }
0x4d: {  	_ =	shalt  }
0x4e: {  	_ =	shalt  }
0x4f: {  	_ =	shalt  }
0x50: {  	_ =	shalt  }
0x51: {  	_ =	shalt  }
0x52: {  	_ =	shalt  }
0x53: {  	_ =	shalt  }
0x54: {  	_ =	shalt  }
0x55: {  	_ =	shalt  }
0x56: {  	_ =	shalt  }
0x57: {  	_ =	shalt  }
0x58: {  	_ =	shalt  }
0x59: {  	_ =	shalt  }
0x5a: {  	_ =	shalt  }
0x5b: {  	_ =	shalt  }
0x5c: {  	_ =	shalt  }
0x5d: {  	_ =	shalt  }
0x5e: {  	_ =	shalt  }
0x5f: {  	_ =	shalt  }
0x60: {  	_ =	shalt  }
0x61: {  	_ =	shalt  }
0x62: {  	_ =	shalt  }
0x63: {  	_ =	shalt  }
0x64: {  	_ =	shalt  }
0x65: {  	_ =	shalt  }
0x66: {  	_ =	shalt  }
0x67: {  	_ =	shalt  }
0x68: {  	_ =	shalt  }
0x69: {  	_ =	shalt  }
0x6a: {  	_ =	shalt  }
0x6b: {  	_ =	shalt  }
0x6c: {  	_ =	shalt  }
0x6d: {  	_ =	shalt  }
0x6e: {  	_ =	shalt  }
0x6f: {  	_ =	shalt  }
0x70: {  	_ =	shalt  }
0x71: {  	_ =	shalt  }
0x72: {  	_ =	shalt  }
0x73: {  	_ =	shalt  }
0x74: {  	_ =	shalt  }
0x75: {  	_ =	shalt  }
0x76: {  	_ =	shalt  }
0x77: {  	_ =	shalt  }
0x78: {  	_ =	shalt  }
0x79: {  	_ =	shalt  }
0x7a: {  	_ =	shalt  }
0x7b: {  	_ =	shalt  }
0x7c: {  	_ =	shalt  }
0x7d: {  	_ =	shalt  }
0x7e: {  	_ =	shalt  }
0x7f: {  	_ =	shalt  }
0x80: {  	_ =	shalt  }
0x81: {  	_ =	shalt  }
0x82: {  	_ =	shalt  }
0x83: {  	_ =	shalt  }
0x84: {  	_ =	shalt  }
0x85: {  	_ =	shalt  }
0x86: {  	_ =	shalt  }
0x87: {  	_ =	shalt  }
.Lfunc_end0:
.L_simem_size_0:
called_computation_lowered:
.L_overlay_start_0:
0x88: {  	s2 =	sld [smem:$0x3FD9]  }
0x89: {  	s3 =	sld [smem:$0x3FFE];
	_ =	sdelay $0x1  }
0x8a: {  	s1 =	srdreg.scid  }
0x8b: {  	s0 =	sand.u32 $0x1, s1  }
0x8c: {  	s14 =	sshll.u32 s0, $0xA;
	s2 =	sadd.s32 s3, s2  }
0x8d: {  	s2 =	sadd.s32 s2, s14  }
0x8e: {  	[smem:$0x3FBB] =	sst s2  }
0x8f: {  	_ = 	snop  }
0x90: {  	s2 =	sld [smem:$0x3FD0];
	_ =	sdelay $0x2  }
0x91: {  	s15 =	simm.s32 $0xA;
	s4 =	simm.s32 $0x10  }
0x92: {  	[smem:s4], [sflag:s15] =	dma.local [hbm:s2], $0x1  }
0x93: {  	_ =	swait.eq [sflag:s15], $0x1  }
0x94: {  	[sflag:s15] =	ssyncset.done $0x0  }
0x95: {  	[sflag:s15] =	ssyncadd.s32 $0xFFFFFFFF  }
0x96: {  	s16 =	sld [smem:$0x12];
	(tm) =	ssettm $0x1  }
0x97: {  	s17 =	sld [smem:$0x3FFB];
	_ =	sdelay $0x3  }
0x98: {  	_ =	strace s17  }
0x99: {  	s3 =	sld [smem:$0x3FFC];
	_ =	sdelay $0x3  }
0x9a: {  	_ =	strace s3  }
0x9b: {  	s3 =	sld [smem:$0x3FFD];
	_ =	sdelay $0x3  }
0x9c: {  	_ =	strace s3  }
0x9d: {  	_ =	strace $0x8FFFFFFF  }
0x9e: {  	s18 =	sld [smem:$0x3FDB];
	_ =	sdelay $0x1  }
0x9f: {  	s19 =	simm.s32 $_scs_section_size  }
0xa0: {  	s5 =	simm.s32 $_size__tile_overlayer_lowered;
	s6 =	simm.s32 $_tile_overlayer_lowered  }
0xa1: {  	s22 =	simm.s32 $0x1BFF;
	s21 =	sshll.u32 s6, $0x1;
	s3 =	sadd.s32 s19, s18  }
0xa2: {  	s7 =	simm.s32 $0x0;
	s20 =	sshll.u32 s5, $0x1;
	s5 =	sadd.s32 s21, s3  }
0xa3: {  	[timem:s7], [sflag:s22] =	dma.local [hbm:s5], s20  }
0xa4: {  	_ =	swait.ge [sflag:s22], s20  }
0xa5: {  	s4 =	ssub.s32 $0x0, s20;
	[sflag:s22] =	ssyncset.done $0x0  }
0xa6: {  	[sflag:s22] =	ssyncadd.s32 s4;
	_ =	sdelay $0x1  }
0xa7: {  	s23 =	simm.s32 $0x1B8B  }
0xa8: {  	_ =	swait.ge [sflag:s23], $0x1  }
0xa9: {  	[sflag:s23] =	ssyncset.done $0x0  }
0xaa: {  	s25 =	simm.s32 $0x1B8E;
	s24 =	sld [smem:$0x3FFE];
	[sflag:s23] =	ssyncadd.s32 $0xFFFFFFFF  }
0xab: {  	s26 =	simm.s32 $execute0_lowered;
	[smem:$0x3FD2] =	sst s25  }
0xac: {  	s5 =	sshll.u32 s26, $0x1;
	_ =	strace $0x80000046;
	[dreg:$0x1] =	wrdreg $0xFFFFFFFF  }
0xad: {  	s28 =	simm.s32 $_size_execute0_lowered;
	s3 =	sadd.s32 s3, s5;
	[dreg:$0x0] =	wrdreg $0x0  }
0xae: {  	s5 =	sshll.u32 s28, $0x1;
	[dreg:$0x2] =	wrdreg s3  }
0xaf: {  	[dreg:$0x3] =	wrdreg s5  }
0xb0: {  	[dreg:$0x4] =	wrdreg $0xC0  }
0xb1: {  	_ =	task [dreg:s7], $0x5FFFF  }
0xb2: {  	[dreg:$0x1] =	wrdreg $0xFFFFFFFF  }
0xb3: {  	[dreg:$0x0] =	wrdreg $0x60  }
0xb4: {  	[dreg:$0x2] =	wrdreg s24  }
0xb5: {  	[dreg:$0x3] =	wrdreg s16  }
0xb6: {  	[dreg:$0x4] =	wrdreg $0x9  }
0xb7: {  	_ =	task.clear_ibuf [dreg:s7], $0x5FFFF;
	_ =	strace $0x90000046  }
0xb8: {  	s29 =	simm.s32 $0x9;
	_ =	strace $0x80000048  }
0xb9: {  	_ =	swait.ge [sflag:s29], $0x1  }
0xba: {  	[sflag:s29] =	ssyncadd.s32 $0xFFFFFFFF  }
0xbb: {  	_ =	strace $0x90000048  }
0xbc: {  	_ =	sfence  }
0xbd: {  	s30 =	sld [smem:$0x0];
	_ =	sdelay $0x2  }
0xbe: {  	s31 =	sshll.u32 s1, $0xD;
	s1 =	sshrl.u32 s1, $0x2  }
0xbf: {  	s3 =	sand.u32 $0x4000, s31;
	s1 =	sadd.s32 s1, s30  }
0xc0: {  	s0 =	sor.u32 s3, s0;
	s1 =	sshll.u32 s1, $0x11  }
0xc1: {  	s0 =	sor.u32 s1, s0  }
0xc2: {  	s0 =	sadd.s32 $0x8F2B, s0  }
0xc3: {  	[sflag:s0] =	ssyncadd.remote.s32 $0x1  }
0xc4: {  	_ =	sfence.sel $0xFFFF  }
0xc5: {  	[dreg:$0x0] =	wrdreg $0xFFFFFFFF;
	(pc) =	sbr.abs _section_cstart, $3  }
0xc6: {  	[dreg:$0x1] =	wrdreg $0xFFFFFFFF  }
0xc7: {  	_ =	task.clear_ibuf [dreg:s7], $0x2FFFF;
	_ =	strace $0x9FFFFFFF  }
0xc8: {  	(tm) =	ssettm $0x7FFFFFFF  }
0xc9: {  	_ =	shalt  }
tec
execute0_lowered:
.L_overlay_start_1:
0x0: {  	(tag) =	ssettag $0x1  }
0x1: {  	s19 =	rddreg [dreg:$0x0]  }
0x2: {  	s1 =	srdreg.scid;
	s0 =	stileid.u32  }
0x3: {  	s3 =	rddreg [dreg:$0x1];
	s17 =	sand.u32 $0x1, s1;
	s4 =	sshll.u32 s0, $0x1  }
0x4: {  	s2 =	simm.s32 $0x0;
	s1 =	rddreg [dreg:$0x2];
	s18 =	sor.u32 s17, s4  }
0x5: {  	[smem:$0x7FF] =	sst s2;
	s4 =	sshll.u32 s18, $0x7  }
0x6: {  	_ =	strace $0x80000047;
	s4 =	sadd.s32 s3, s4;
	s3 =	simm.s32 $0x2  }
0x7: {  	[tilespmem:s2], [sflag:$0x2] =	stream.linear.gather [hbm4b:s4+s2], $0x300, $0x38;
	[tilespmem:$0x16C00] =	vst v63  }
0x8: {  	_ =	swait.ge [sflag:s3], $0x300  }
0x9: {  	s6 =	simm.s32 $0x78;
	s7 =	simm.s32 $0x400;
	[sflag:s3] =	ssyncset.done $0x0  }
0xa: {  	s8 =	simm.s32 $0x1;
	s5 =	sadd.s32 $0x189E00, s19;
	[sflag:s3] =	ssyncadd.s32 $0xFFFFFD00  }
0xb: {  	[tilespmem:s7], [sflag:$0x1] =	stream.indirect.gather [hbm4b:s5+s6], $0x80, s2, s6, $0xb8;
	[tilespmem:$0x16C00] =	vst v63  }
0xc: {  	_ =	swait.ge [sflag:s8], $0x3C00  }
0xd: {  	[sflag:s8] =	ssyncset.done $0x0  }
0xe: {  	s9 =	simm.s32 $0x80;
	s10 =	simm.s32 $0x4000;
	[sflag:s8] =	ssyncadd.s32 $0xFFFFC400  }
0xf: {  	[tilespmem:s10], [sflag:$0x1] =	stream.indirect.gather [hbm4b:s5+s6], $0x80, s9, s6, $0xb8;
	[tilespmem:$0x16C00] =	vst v63  }
0x10: {  	_ =	swait.ge [sflag:s8], $0x3C00  }
0x11: {  	[sflag:s8] =	ssyncset.done $0x0  }
0x12: {  	s11 =	simm.s32 $0x100;
	s12 =	simm.s32 $0x7C00;
	[sflag:s8] =	ssyncadd.s32 $0xFFFFC400  }
0x13: {  	[tilespmem:s12], [sflag:$0x1] =	stream.indirect.gather [hbm4b:s5+s6], $0x80, s11, s6, $0xb8;
	[tilespmem:$0x16C00] =	vst v63  }
0x14: {  	_ =	swait.ge [sflag:s8], $0x3C00  }
0x15: {  	[sflag:s8] =	ssyncset.done $0x0  }
0x16: {  	s13 =	simm.s32 $0x180;
	s14 =	simm.s32 $0xB800;
	[sflag:s8] =	ssyncadd.s32 $0xFFFFC400  }
0x17: {  	[tilespmem:s14], [sflag:$0x1] =	stream.indirect.gather [hbm4b:s5+s6], $0x80, s13, s6, $0xb8;
	[tilespmem:$0x16C00] =	vst v63  }
0x18: {  	_ =	swait.ge [sflag:s8], $0x3C00  }
0x19: {  	s15 =	simm.s32 $0x200;
	s16 =	simm.s32 $0xF400;
	[sflag:s8] =	ssyncset.done $0x0  }
0x1a: {  	s21 =	ssub.s32 $0x2, s17;
	s17 =	simm.s32 $0x280;
	[sflag:s8] =	ssyncadd.s32 $0xFFFFC400  }
0x1b: {  	[tilespmem:s16], [sflag:$0x1] =	stream.indirect.gather [hbm4b:s5+s6], $0x80, s15, s6, $0xb8;
	[tilespmem:$0x16C00] =	vst v63  }
0x1c: {  	s20 =	smul.u32 $0x2D00, s18;
	s22 =	sshrl.u32 s21, $0x1;
	_ =	swait.ge [sflag:s8], $0x3C00  }
0x1d: {  	s18 =	simm.s32 $0x13000;
	s31 =	ssub.s32 s21, s22;
	[sflag:s8] =	ssyncset.done $0x0  }
0x1e: {  	s19 =	sadd.s32 s20, s19;
	s20 =	smax.u32 s31, $0x1;
	[sflag:s8] =	ssyncadd.s32 $0xFFFFC400  }
0x1f: {  	[tilespmem:s18], [sflag:$0x1] =	stream.indirect.gather [hbm4b:s5+s6], $0x80, s17, s6, $0xb8;
	[tilespmem:$0x16C00] =	vst v63  }
0x20: {  	p0 =	sne.s32 s20, $0x1;
	_ =	swait.ge [sflag:s8], $0x3C00  }
.Ltmp0:
0x21: {  	[sflag:s8] =	ssyncset.done $0x0;
	(pc) =	sbr.rel @!p0 .LBB2_2-.Ltmp0, $4  }
0x22: {  	s19 =	sadd.s32 $0x3400, s19;
	[sflag:s8] =	ssyncadd.s32 $0xFFFFC400  }
0x23: {  	[hbm4b:s19+s2] =	stream.linear.scatter [tilespmem:s7], [sflag:$0x2], $0x16800, $0x38;
	[tilespmem:$0x16C00] =	vst v63  }
0x24: {  	_ =	swait.ge [sflag:s3], $0x16800  }
0x25: {  	s20 =	sadd.s32 $0xFFFFFFFF, s20;
	[sflag:s3] =	ssyncset.done $0x0  }
.LBB2_1:
0x26: {  	p0 =	sne.s32 s20, $0x1;
	s20 =	sadd.s32 $0xFFFFFFFF, s20;
	[sflag:s3] =	ssyncadd.s32 $0xFFFE9800  }
0x27: {  	[tilespmem:s2], [sflag:$0x2] =	stream.linear.gather [hbm4b:s4+s2], $0x300, $0x38;
	[tilespmem:$0x16C00] =	vst v63  }
0x28: {  	_ =	swait.ge [sflag:s3], $0x300  }
0x29: {  	[sflag:s3] =	ssyncset.done $0x0  }
0x2a: {  	[sflag:s3] =	ssyncadd.s32 $0xFFFFFD00  }
0x2b: {  	[tilespmem:s7], [sflag:$0x1] =	stream.indirect.gather [hbm4b:s5+s6], $0x80, s2, s6, $0xb8;
	[tilespmem:$0x16C00] =	vst v63  }
0x2c: {  	_ =	swait.ge [sflag:s8], $0x3C00  }
0x2d: {  	[sflag:s8] =	ssyncset.done $0x0  }
0x2e: {  	[sflag:s8] =	ssyncadd.s32 $0xFFFFC400  }
0x2f: {  	[tilespmem:s10], [sflag:$0x1] =	stream.indirect.gather [hbm4b:s5+s6], $0x80, s9, s6, $0xb8;
	[tilespmem:$0x16C00] =	vst v63  }
0x30: {  	_ =	swait.ge [sflag:s8], $0x3C00  }
0x31: {  	[sflag:s8] =	ssyncset.done $0x0  }
0x32: {  	[sflag:s8] =	ssyncadd.s32 $0xFFFFC400  }
0x33: {  	[tilespmem:s12], [sflag:$0x1] =	stream.indirect.gather [hbm4b:s5+s6], $0x80, s11, s6, $0xb8;
	[tilespmem:$0x16C00] =	vst v63  }
0x34: {  	_ =	swait.ge [sflag:s8], $0x3C00  }
0x35: {  	[sflag:s8] =	ssyncset.done $0x0  }
0x36: {  	[sflag:s8] =	ssyncadd.s32 $0xFFFFC400  }
0x37: {  	[tilespmem:s14], [sflag:$0x1] =	stream.indirect.gather [hbm4b:s5+s6], $0x80, s13, s6, $0xb8;
	[tilespmem:$0x16C00] =	vst v63  }
0x38: {  	_ =	swait.ge [sflag:s8], $0x3C00  }
0x39: {  	[sflag:s8] =	ssyncset.done $0x0  }
0x3a: {  	[sflag:s8] =	ssyncadd.s32 $0xFFFFC400  }
0x3b: {  	[tilespmem:s16], [sflag:$0x1] =	stream.indirect.gather [hbm4b:s5+s6], $0x80, s15, s6, $0xb8;
	[tilespmem:$0x16C00] =	vst v63  }
0x3c: {  	_ =	swait.ge [sflag:s8], $0x3C00  }
0x3d: {  	[sflag:s8] =	ssyncset.done $0x0  }
0x3e: {  	[sflag:s8] =	ssyncadd.s32 $0xFFFFC400  }
0x3f: {  	[tilespmem:s18], [sflag:$0x1] =	stream.indirect.gather [hbm4b:s5+s6], $0x80, s17, s6, $0xb8;
	[tilespmem:$0x16C00] =	vst v63  }
0x40: {  	_ =	swait.ge [sflag:s8], $0x3C00  }
.Ltmp1:
0x41: {  	[sflag:s8] =	ssyncset.done $0x0;
	(pc) =	sbr.rel @p0 .LBB2_1-.Ltmp1, $4  }
0x42: {  	[sflag:s8] =	ssyncadd.s32 $0xFFFFC400  }
0x43: {  	[hbm4b:s19+s2] =	stream.linear.scatter [tilespmem:s7], [sflag:$0x2], $0x16800, $0x38;
	[tilespmem:$0x16C00] =	vst v63  }
0x44: {  	_ =	swait.ge [sflag:s3], $0x16800  }
0x45: {  	[sflag:s3] =	ssyncset.done $0x0  }
.LBB2_2:
0x46: {  	[sflag:s3] =	ssyncadd.s32 $0xFFFE9800  }
0x47: {  	_ =	sfence.sel $0x180000  }
0x48: {  	[bflag:$0x0] =	sbarrier.arrive $0xFFFF  }
0x49: {  	p0 =	sne.s32 s0, $0x0;
	_ =	strace $0x90000047  }
0x4a: {  	s0 =	sadd.s32 @!p0 $0x100000, s1;
	[bflag:$0x2] =	sbarrier.arrive $0xFFFF  }
0x4b: {  	[sflag:s0] =	ssyncadd.tile.s32 @!p0 $0x1;
	_ =	shalt  }
.Lfunc_end2:
_tile_overlayer_lowered:
.L_overlay_start_2:
0x4c: {  	(tag) =	ssettag $0x2  }
0x4d: {  	s0 =	rddreg [dreg:$0x0];
	s2 =	stileid.u32  }
0x4e: {  	s1 =	rddreg [dreg:$0x1];
	p0 =	sne.s32 s2, $0x0  }
0x4f: {  	s3 =	rddreg [dreg:$0x2];
	[bflag:$0x3] =	sbarrier.arrive $0xFFFF;
	s2 =	simm.s32 @!p0 $0x1C02  }
0x50: {  	[timem:s3], [sflag:s2] =	dma.local @!p0 [hbm:s0], s1  }
0x51: {  	s0 =	simm.s32 @!p0 $0x2  }
0x52: {  	_ =	swait.ge @!p0 [sflag:s0], s1  }
0x53: {  	s1 =	ssub.s32 @!p0 $0x0, s1;
	[sflag:s0] =	ssyncset.done @!p0 $0x0  }
0x54: {  	[sflag:s0] =	ssyncadd.s32 @!p0 s1  }
0x55: {  	[bflag:$0x3] =	sbarrier.arrive $0xFFFF  }
0x56: {  	_ =	shalt  }

</sc_bundles>
